<compile_context>
chip_gen: v7x
topology: tpu7x:2x2x1
jax: 0.10.2.dev20260603
libtpu: 0.0.44.dev20260713+nightly
codegen_flags: <defaults>
</compile_context>

<pallas_src>
import functools

import jax
import jax.numpy as jnp
from jax import lax
from jax.experimental import pallas as pl
from jax.experimental.pallas import tpu as pltpu
from jax.experimental.pallas import tpu_sc as plsc

DIM = 128
BATCH = 16384
TABLE_ROWS = 1000
NUM_CORES = 2
NUM_SUBCORES = 16
NUM_WORKERS = NUM_CORES * NUM_SUBCORES
B_PER_W = BATCH // NUM_WORKERS
CHUNK = 32
N_CHUNKS = B_PER_W // CHUNK
STAGE_ROWS = 64
STAGE_TILES_FULL = TABLE_ROWS // STAGE_ROWS
STAGE_REM = TABLE_ROWS - STAGE_TILES_FULL * STAGE_ROWS


@jax.jit
def _pe_lookup(pe_matrix, timestep):
    mesh = plsc.VectorSubcoreMesh(core_axis_name="c", subcore_axis_name="s")

    @functools.partial(
        pl.kernel,
        mesh=mesh,
        out_type=jax.ShapeDtypeStruct((BATCH, DIM), jnp.float32),
        scratch_types=[
            pltpu.VMEM_SHARED((TABLE_ROWS, DIM), jnp.float32),
            pltpu.VMEM((B_PER_W,), jnp.int32),
            pltpu.VMEM((B_PER_W, DIM), jnp.float32),
        ] + [pltpu.SemaphoreType.DMA] * (N_CHUNKS + 2),
    )
    def k(table_hbm, idx_hbm, out_hbm, table_s, idx_v, rows_v, *sems):
        gsems, wsem, isem = sems[:N_CHUNKS], sems[N_CHUNKS], sems[N_CHUNKS + 1]
        cid = lax.axis_index("c")
        sid = lax.axis_index("s")
        wid = sid * NUM_CORES + cid
        base = wid * B_PER_W

        idx_copy = pltpu.async_copy(idx_hbm.at[pl.ds(base, B_PER_W)], idx_v,
                                    isem)

        @pl.when(sid < STAGE_TILES_FULL)
        def _stage():
            r0 = pl.multiple_of(sid * STAGE_ROWS, STAGE_ROWS)
            pltpu.sync_copy(table_hbm.at[pl.ds(r0, STAGE_ROWS)],
                            table_s.at[pl.ds(r0, STAGE_ROWS)])

        @pl.when(sid == STAGE_TILES_FULL)
        def _stage_rem():
            r0 = STAGE_TILES_FULL * STAGE_ROWS
            pltpu.sync_copy(table_hbm.at[pl.ds(r0, STAGE_REM)],
                            table_s.at[pl.ds(r0, STAGE_REM)])

        idx_copy.wait()
        plsc.subcore_barrier()

        gathers = []
        for j in range(N_CHUNKS):
            gathers.append(pltpu.async_copy(
                table_s.at[idx_v.at[pl.ds(j * CHUNK, CHUNK)]],
                rows_v.at[pl.ds(j * CHUNK, CHUNK)],
                gsems[j],
            ))
        writes = []
        for j in range(N_CHUNKS):
            gathers[j].wait()
            writes.append(pltpu.async_copy(
                rows_v.at[pl.ds(j * CHUNK, CHUNK)],
                out_hbm.at[pl.ds(base + j * CHUNK, CHUNK)],
                wsem,
            ))
        for w in writes:
            w.wait()

    return k(pe_matrix, timestep)


def kernel(pe_matrix, timestep):
    return _pe_lookup(pe_matrix, timestep.astype(jnp.int32))

# --- scband reference (transcript-rebuilt; emitter-appended) ---
"""Pipeline reference for scband-transformer-positional-embedding-2276332667504 (READ-ONLY COPY).

The authoritative reference and input builder live on the scoring server;
editing this copy changes nothing except your own understanding.
"""

import jax, jax.numpy as jnp
import numpy as np

DIMENSION = 128
MAX_TIMESTEPS = 1000
BATCH = 16384


def _build_pe_matrix():
    even_indices = jnp.arange(0, DIMENSION, 2, dtype=jnp.float32)
    log_term = jnp.log(jnp.asarray(float(MAX_TIMESTEPS), dtype=jnp.float32)) / DIMENSION
    div_term = jnp.exp(even_indices * (-log_term))
    timesteps = jnp.arange(MAX_TIMESTEPS, dtype=jnp.float32)[:, None]
    pe = jnp.zeros((MAX_TIMESTEPS, DIMENSION), dtype=jnp.float32)
    pe = pe.at[:, 0::2].set(jnp.sin(timesteps * div_term))
    pe = pe.at[:, 1::2].set(jnp.cos(timesteps * div_term))
    return pe


def setup_inputs(seed: int = 0) -> dict:
    key = jax.random.key(seed)
    timestep = jax.random.randint(key, (BATCH,), 0, MAX_TIMESTEPS)
    pe_matrix = _build_pe_matrix()
    return {"pe_matrix": pe_matrix, "timestep": timestep}


def reference(pe_matrix, timestep):
    # Faithful translation of forward: self.pe_matrix[timestep]
    return jnp.take(pe_matrix, timestep, axis=0)

if __name__ == "__main__":
    import jax
    _d = setup_inputs()
    print(jax.jit(kernel)(*tuple(_d.values())))

</pallas_src>

<mosaic_0001>
#map = affine_map<(d0, d1) -> (0, 0)>
#map1 = affine_map<(d0, d1) -> (0)>
module attributes {stable_mosaic.version = 14 : i64} {
  func.func @k(%arg0: i32, %arg1: i32, %arg2: memref<1000x128xf32, #tpu.memory_space<hbm>>, %arg3: memref<16384xi32, #tpu.memory_space<hbm>>, %arg4: memref<16384x128xf32, #tpu.memory_space<hbm>>, %arg5: memref<1000x128xf32, #tpu.memory_space<vmem_shared>>, %arg6: memref<512xi32, #tpu.memory_space<vmem>>, %arg7: memref<512x128xf32, #tpu.memory_space<vmem>>, %arg8: memref<!tpu.dma_semaphore, #tpu.memory_space<semaphore_mem>>, %arg9: memref<!tpu.dma_semaphore, #tpu.memory_space<semaphore_mem>>, %arg10: memref<!tpu.dma_semaphore, #tpu.memory_space<semaphore_mem>>, %arg11: memref<!tpu.dma_semaphore, #tpu.memory_space<semaphore_mem>>, %arg12: memref<!tpu.dma_semaphore, #tpu.memory_space<semaphore_mem>>, %arg13: memref<!tpu.dma_semaphore, #tpu.memory_space<semaphore_mem>>, %arg14: memref<!tpu.dma_semaphore, #tpu.memory_space<semaphore_mem>>, %arg15: memref<!tpu.dma_semaphore, #tpu.memory_space<semaphore_mem>>, %arg16: memref<!tpu.dma_semaphore, #tpu.memory_space<semaphore_mem>>, %arg17: memref<!tpu.dma_semaphore, #tpu.memory_space<semaphore_mem>>, %arg18: memref<!tpu.dma_semaphore, #tpu.memory_space<semaphore_mem>>, %arg19: memref<!tpu.dma_semaphore, #tpu.memory_space<semaphore_mem>>, %arg20: memref<!tpu.dma_semaphore, #tpu.memory_space<semaphore_mem>>, %arg21: memref<!tpu.dma_semaphore, #tpu.memory_space<semaphore_mem>>, %arg22: memref<!tpu.dma_semaphore, #tpu.memory_space<semaphore_mem>>, %arg23: memref<!tpu.dma_semaphore, #tpu.memory_space<semaphore_mem>>, %arg24: memref<!tpu.dma_semaphore, #tpu.memory_space<semaphore_mem>>, %arg25: memref<!tpu.dma_semaphore, #tpu.memory_space<semaphore_mem>>) attributes {dimension_semantics = [#tpu.dimension_semantics<core_parallel>, #tpu.dimension_semantics<subcore_parallel>], iteration_bounds = array<i64: 2, 16>, scalar_prefetch = 0 : i64, scratch_operands = 21 : i64, tpu.core_type = #tpu.core_type<sc_vector_subcore>, window_params = [{transform_indices = #map}, {transform_indices = #map1}, {transform_indices = #map}]} {
    %mul3A = arith.constant 2 : i32
    %mul3A_0 = arith.muli %arg1, %mul3A : i32
    %add3A = arith.addi %mul3A_0, %arg0 : i32
    %mul3A_1 = arith.constant 512 : i32
    %mul3A_2 = arith.muli %add3A, %mul3A_1 : i32
    %dma_start3A = tpu.memref_slice %arg3[%mul3A_2] : memref<16384xi32, #tpu.memory_space<hbm>> -> memref<512xi32, #tpu.memory_space<hbm>>
    %dma_start3A_3 = tpu.memref_slice %arg3[%mul3A_2] : memref<16384xi32, #tpu.memory_space<hbm>> -> memref<512xi32, #tpu.memory_space<hbm>>
    tpu.enqueue_dma source(%dma_start3A_3 : memref<512xi32, #tpu.memory_space<hbm>>) target(%arg6 : memref<512xi32, #tpu.memory_space<vmem>>) target_semaphore(%arg25 : memref<!tpu.dma_semaphore, #tpu.memory_space<semaphore_mem>>)
    %lt3A = arith.constant 15 : i32
    %lt3A_4 = arith.cmpi slt, %arg1, %lt3A : i32
    %convert_element_type3A = arith.extui %lt3A_4 : i1 to i32
    %cond3A = arith.constant 0 : i32
    %cond3A_5 = arith.cmpi ne, %convert_element_type3A, %cond3A : i32
    scf.if %cond3A_5 {
      %mul3A_619 = arith.constant 64 : i32
      %mul3A_620 = arith.muli %arg1, %mul3A_619 : i32
      %multiple_of3A = tpu.assume_multiple %mul3A_620, 64 : i32
      "tpu.region"() ({
        %run_scoped3A = tpu.sem_alloc : memref<!tpu.dma_semaphore, #tpu.memory_space<semaphore_mem>>
        %dma_start3A_621 = arith.constant 0 : i32
        %dma_start3A_622 = tpu.memref_slice %arg5[%multiple_of3A, %dma_start3A_621] : memref<1000x128xf32, #tpu.memory_space<vmem_shared>> -> memref<64x128xf32, #tpu.memory_space<vmem_shared>>
        %dma_start3A_623 = arith.constant 0 : i32
        %dma_start3A_624 = tpu.memref_slice %arg2[%multiple_of3A, %dma_start3A_623] : memref<1000x128xf32, #tpu.memory_space<hbm>> -> memref<64x128xf32, #tpu.memory_space<hbm>>
        tpu.enqueue_dma source(%dma_start3A_624 : memref<64x128xf32, #tpu.memory_space<hbm>>) target(%dma_start3A_622 : memref<64x128xf32, #tpu.memory_space<vmem_shared>>) target_semaphore(%run_scoped3A : memref<!tpu.dma_semaphore, #tpu.memory_space<semaphore_mem>>)
        %dma_wait3A_625 = arith.constant 0 : i32
        %dma_wait3A_626 = tpu.memref_slice %arg5[%multiple_of3A, %dma_wait3A_625] : memref<1000x128xf32, #tpu.memory_space<vmem_shared>> -> memref<64x128xf32, #tpu.memory_space<vmem_shared>>
        %dma_wait3A_627 = arith.constant 0 : i32
        %dma_wait3A_628 = tpu.memref_slice %arg2[%multiple_of3A, %dma_wait3A_627] : memref<1000x128xf32, #tpu.memory_space<hbm>> -> memref<64x128xf32, #tpu.memory_space<hbm>>
        tpu.wait_dma2 semaphore(%run_scoped3A : memref<!tpu.dma_semaphore, #tpu.memory_space<semaphore_mem>>) src(%dma_wait3A_628 : memref<64x128xf32, #tpu.memory_space<hbm>>) dst(%dma_wait3A_626 : memref<64x128xf32, #tpu.memory_space<vmem_shared>>)
        tpu.yield
      }) : () -> ()
    } else {
    }
    %eq3A = arith.constant 15 : i32
    %eq3A_6 = arith.cmpi eq, %arg1, %eq3A : i32
    %convert_element_type3A_7 = arith.extui %eq3A_6 : i1 to i32
    %cond3A_8 = arith.constant 0 : i32
    %cond3A_9 = arith.cmpi ne, %convert_element_type3A_7, %cond3A_8 : i32
    scf.if %cond3A_9 {
      "tpu.region"() ({
        %run_scoped3A = tpu.sem_alloc : memref<!tpu.dma_semaphore, #tpu.memory_space<semaphore_mem>>
        %dma_start3A_619 = arith.constant 960 : i32
        %dma_start3A_620 = arith.constant 0 : i32
        %dma_start3A_621 = tpu.memref_slice %arg5[%dma_start3A_619, %dma_start3A_620] : memref<1000x128xf32, #tpu.memory_space<vmem_shared>> -> memref<40x128xf32, #tpu.memory_space<vmem_shared>>
        %dma_start3A_622 = arith.constant 960 : i32
        %dma_start3A_623 = arith.constant 0 : i32
        %dma_start3A_624 = tpu.memref_slice %arg2[%dma_start3A_622, %dma_start3A_623] : memref<1000x128xf32, #tpu.memory_space<hbm>> -> memref<40x128xf32, #tpu.memory_space<hbm>>
        tpu.enqueue_dma source(%dma_start3A_624 : memref<40x128xf32, #tpu.memory_space<hbm>>) target(%dma_start3A_621 : memref<40x128xf32, #tpu.memory_space<vmem_shared>>) target_semaphore(%run_scoped3A : memref<!tpu.dma_semaphore, #tpu.memory_space<semaphore_mem>>)
        %dma_wait3A_625 = arith.constant 960 : i32
        %dma_wait3A_626 = arith.constant 0 : i32
        %dma_wait3A_627 = tpu.memref_slice %arg5[%dma_wait3A_625, %dma_wait3A_626] : memref<1000x128xf32, #tpu.memory_space<vmem_shared>> -> memref<40x128xf32, #tpu.memory_space<vmem_shared>>
        %dma_wait3A_628 = arith.constant 960 : i32
        %dma_wait3A_629 = arith.constant 0 : i32
        %dma_wait3A_630 = tpu.memref_slice %arg2[%dma_wait3A_628, %dma_wait3A_629] : memref<1000x128xf32, #tpu.memory_space<hbm>> -> memref<40x128xf32, #tpu.memory_space<hbm>>
        tpu.wait_dma2 semaphore(%run_scoped3A : memref<!tpu.dma_semaphore, #tpu.memory_space<semaphore_mem>>) src(%dma_wait3A_630 : memref<40x128xf32, #tpu.memory_space<hbm>>) dst(%dma_wait3A_627 : memref<40x128xf32, #tpu.memory_space<vmem_shared>>)
        tpu.yield
      }) : () -> ()
    } else {
    }
    %dma_wait3A = tpu.memref_slice %arg3[%mul3A_2] : memref<16384xi32, #tpu.memory_space<hbm>> -> memref<512xi32, #tpu.memory_space<hbm>>
    %dma_wait3A_10 = tpu.memref_slice %arg3[%mul3A_2] : memref<16384xi32, #tpu.memory_space<hbm>> -> memref<512xi32, #tpu.memory_space<hbm>>
    tpu.wait_dma2 semaphore(%arg25 : memref<!tpu.dma_semaphore, #tpu.memory_space<semaphore_mem>>) src(%dma_wait3A_10 : memref<512xi32, #tpu.memory_space<hbm>>) dst(%arg6 : memref<512xi32, #tpu.memory_space<vmem>>)
    %barrier3A = arith.constant 0 : index
    tpu.barrier barrier_id(%barrier3A)
    %dma_start3A_11 = arith.constant 0 : i32
    %dma_start3A_12 = arith.constant 0 : i32
    %dma_start3A_13 = tpu.memref_slice %arg7[%dma_start3A_11, %dma_start3A_12] : memref<512x128xf32, #tpu.memory_space<vmem>> -> memref<32x128xf32, #tpu.memory_space<vmem>>
    %dma_start3A_14 = arith.constant 0 : i32
    %dma_start3A_15 = tpu.memref_slice %arg6[%dma_start3A_14] : memref<512xi32, #tpu.memory_space<vmem>> -> memref<32xi32, #tpu.memory_space<vmem>>
    %dma_start3A_16 = arith.constant 0 : i32
    %dma_start3A_17 = arith.constant 0 : i32
    %dma_start3A_18 = tpu.memref_slice %arg5[%dma_start3A_16, %dma_start3A_17] : memref<1000x128xf32, #tpu.memory_space<vmem_shared>> -> memref<1000x128xf32, #tpu.memory_space<vmem_shared>>
    tpu.enqueue_indirect_dma source(%dma_start3A_18 : memref<1000x128xf32, #tpu.memory_space<vmem_shared>>) target(%dma_start3A_13 : memref<32x128xf32, #tpu.memory_space<vmem>>) offsets(%dma_start3A_15 : memref<32xi32, #tpu.memory_space<vmem>>) semaphore(%arg8 : memref<!tpu.dma_semaphore, #tpu.memory_space<semaphore_mem>>)
    %dma_start3A_19 = arith.constant 32 : i32
    %dma_start3A_20 = arith.constant 0 : i32
    %dma_start3A_21 = tpu.memref_slice %arg7[%dma_start3A_19, %dma_start3A_20] : memref<512x128xf32, #tpu.memory_space<vmem>> -> memref<32x128xf32, #tpu.memory_space<vmem>>
    %dma_start3A_22 = arith.constant 32 : i32
    %dma_start3A_23 = tpu.memref_slice %arg6[%dma_start3A_22] : memref<512xi32, #tpu.memory_space<vmem>> -> memref<32xi32, #tpu.memory_space<vmem>>
    %dma_start3A_24 = arith.constant 0 : i32
    %dma_start3A_25 = arith.constant 0 : i32
    %dma_start3A_26 = tpu.memref_slice %arg5[%dma_start3A_24, %dma_start3A_25] : memref<1000x128xf32, #tpu.memory_space<vmem_shared>> -> memref<1000x128xf32, #tpu.memory_space<vmem_shared>>
    tpu.enqueue_indirect_dma source(%dma_start3A_26 : memref<1000x128xf32, #tpu.memory_space<vmem_shared>>) target(%dma_start3A_21 : memref<32x128xf32, #tpu.memory_space<vmem>>) offsets(%dma_start3A_23 : memref<32xi32, #tpu.memory_space<vmem>>) semaphore(%arg9 : memref<!tpu.dma_semaphore, #tpu.memory_space<semaphore_mem>>)
    %dma_start3A_27 = arith.constant 64 : i32
    %dma_start3A_28 = arith.constant 0 : i32
    %dma_start3A_29 = tpu.memref_slice %arg7[%dma_start3A_27, %dma_start3A_28] : memref<512x128xf32, #tpu.memory_space<vmem>> -> memref<32x128xf32, #tpu.memory_space<vmem>>
    %dma_start3A_30 = arith.constant 64 : i32
    %dma_start3A_31 = tpu.memref_slice %arg6[%dma_start3A_30] : memref<512xi32, #tpu.memory_space<vmem>> -> memref<32xi32, #tpu.memory_space<vmem>>
    %dma_start3A_32 = arith.constant 0 : i32
    %dma_start3A_33 = arith.constant 0 : i32
    %dma_start3A_34 = tpu.memref_slice %arg5[%dma_start3A_32, %dma_start3A_33] : memref<1000x128xf32, #tpu.memory_space<vmem_shared>> -> memref<1000x128xf32, #tpu.memory_space<vmem_shared>>
    tpu.enqueue_indirect_dma source(%dma_start3A_34 : memref<1000x128xf32, #tpu.memory_space<vmem_shared>>) target(%dma_start3A_29 : memref<32x128xf32, #tpu.memory_space<vmem>>) offsets(%dma_start3A_31 : memref<32xi32, #tpu.memory_space<vmem>>) semaphore(%arg10 : memref<!tpu.dma_semaphore, #tpu.memory_space<semaphore_mem>>)
    %dma_start3A_35 = arith.constant 96 : i32
    %dma_start3A_36 = arith.constant 0 : i32
    %dma_start3A_37 = tpu.memref_slice %arg7[%dma_start3A_35, %dma_start3A_36] : memref<512x128xf32, #tpu.memory_space<vmem>> -> memref<32x128xf32, #tpu.memory_space<vmem>>
    %dma_start3A_38 = arith.constant 96 : i32
    %dma_start3A_39 = tpu.memref_slice %arg6[%dma_start3A_38] : memref<512xi32, #tpu.memory_space<vmem>> -> memref<32xi32, #tpu.memory_space<vmem>>
    %dma_start3A_40 = arith.constant 0 : i32
    %dma_start3A_41 = arith.constant 0 : i32
    %dma_start3A_42 = tpu.memref_slice %arg5[%dma_start3A_40, %dma_start3A_41] : memref<1000x128xf32, #tpu.memory_space<vmem_shared>> -> memref<1000x128xf32, #tpu.memory_space<vmem_shared>>
    tpu.enqueue_indirect_dma source(%dma_start3A_42 : memref<1000x128xf32, #tpu.memory_space<vmem_shared>>) target(%dma_start3A_37 : memref<32x128xf32, #tpu.memory_space<vmem>>) offsets(%dma_start3A_39 : memref<32xi32, #tpu.memory_space<vmem>>) semaphore(%arg11 : memref<!tpu.dma_semaphore, #tpu.memory_space<semaphore_mem>>)
    %dma_start3A_43 = arith.constant 128 : i32
    %dma_start3A_44 = arith.constant 0 : i32
    %dma_start3A_45 = tpu.memref_slice %arg7[%dma_start3A_43, %dma_start3A_44] : memref<512x128xf32, #tpu.memory_space<vmem>> -> memref<32x128xf32, #tpu.memory_space<vmem>>
    %dma_start3A_46 = arith.constant 128 : i32
    %dma_start3A_47 = tpu.memref_slice %arg6[%dma_start3A_46] : memref<512xi32, #tpu.memory_space<vmem>> -> memref<32xi32, #tpu.memory_space<vmem>>
    %dma_start3A_48 = arith.constant 0 : i32
    %dma_start3A_49 = arith.constant 0 : i32
    %dma_start3A_50 = tpu.memref_slice %arg5[%dma_start3A_48, %dma_start3A_49] : memref<1000x128xf32, #tpu.memory_space<vmem_shared>> -> memref<1000x128xf32, #tpu.memory_space<vmem_shared>>
    tpu.enqueue_indirect_dma source(%dma_start3A_50 : memref<1000x128xf32, #tpu.memory_space<vmem_shared>>) target(%dma_start3A_45 : memref<32x128xf32, #tpu.memory_space<vmem>>) offsets(%dma_start3A_47 : memref<32xi32, #tpu.memory_space<vmem>>) semaphore(%arg12 : memref<!tpu.dma_semaphore, #tpu.memory_space<semaphore_mem>>)
    %dma_start3A_51 = arith.constant 160 : i32
    %dma_start3A_52 = arith.constant 0 : i32
    %dma_start3A_53 = tpu.memref_slice %arg7[%dma_start3A_51, %dma_start3A_52] : memref<512x128xf32, #tpu.memory_space<vmem>> -> memref<32x128xf32, #tpu.memory_space<vmem>>
    %dma_start3A_54 = arith.constant 160 : i32
    %dma_start3A_55 = tpu.memref_slice %arg6[%dma_start3A_54] : memref<512xi32, #tpu.memory_space<vmem>> -> memref<32xi32, #tpu.memory_space<vmem>>
    %dma_start3A_56 = arith.constant 0 : i32
    %dma_start3A_57 = arith.constant 0 : i32
    %dma_start3A_58 = tpu.memref_slice %arg5[%dma_start3A_56, %dma_start3A_57] : memref<1000x128xf32, #tpu.memory_space<vmem_shared>> -> memref<1000x128xf32, #tpu.memory_space<vmem_shared>>
    tpu.enqueue_indirect_dma source(%dma_start3A_58 : memref<1000x128xf32, #tpu.memory_space<vmem_shared>>) target(%dma_start3A_53 : memref<32x128xf32, #tpu.memory_space<vmem>>) offsets(%dma_start3A_55 : memref<32xi32, #tpu.memory_space<vmem>>) semaphore(%arg13 : memref<!tpu.dma_semaphore, #tpu.memory_space<semaphore_mem>>)
    %dma_start3A_59 = arith.constant 192 : i32
    %dma_start3A_60 = arith.constant 0 : i32
    %dma_start3A_61 = tpu.memref_slice %arg7[%dma_start3A_59, %dma_start3A_60] : memref<512x128xf32, #tpu.memory_space<vmem>> -> memref<32x128xf32, #tpu.memory_space<vmem>>
    %dma_start3A_62 = arith.constant 192 : i32
    %dma_start3A_63 = tpu.memref_slice %arg6[%dma_start3A_62] : memref<512xi32, #tpu.memory_space<vmem>> -> memref<32xi32, #tpu.memory_space<vmem>>
    %dma_start3A_64 = arith.constant 0 : i32
    %dma_start3A_65 = arith.constant 0 : i32
    %dma_start3A_66 = tpu.memref_slice %arg5[%dma_start3A_64, %dma_start3A_65] : memref<1000x128xf32, #tpu.memory_space<vmem_shared>> -> memref<1000x128xf32, #tpu.memory_space<vmem_shared>>
    tpu.enqueue_indirect_dma source(%dma_start3A_66 : memref<1000x128xf32, #tpu.memory_space<vmem_shared>>) target(%dma_start3A_61 : memref<32x128xf32, #tpu.memory_space<vmem>>) offsets(%dma_start3A_63 : memref<32xi32, #tpu.memory_space<vmem>>) semaphore(%arg14 : memref<!tpu.dma_semaphore, #tpu.memory_space<semaphore_mem>>)
    %dma_start3A_67 = arith.constant 224 : i32
    %dma_start3A_68 = arith.constant 0 : i32
    %dma_start3A_69 = tpu.memref_slice %arg7[%dma_start3A_67, %dma_start3A_68] : memref<512x128xf32, #tpu.memory_space<vmem>> -> memref<32x128xf32, #tpu.memory_space<vmem>>
    %dma_start3A_70 = arith.constant 224 : i32
    %dma_start3A_71 = tpu.memref_slice %arg6[%dma_start3A_70] : memref<512xi32, #tpu.memory_space<vmem>> -> memref<32xi32, #tpu.memory_space<vmem>>
    %dma_start3A_72 = arith.constant 0 : i32
    %dma_start3A_73 = arith.constant 0 : i32
    %dma_start3A_74 = tpu.memref_slice %arg5[%dma_start3A_72, %dma_start3A_73] : memref<1000x128xf32, #tpu.memory_space<vmem_shared>> -> memref<1000x128xf32, #tpu.memory_space<vmem_shared>>
    tpu.enqueue_indirect_dma source(%dma_start3A_74 : memref<1000x128xf32, #tpu.memory_space<vmem_shared>>) target(%dma_start3A_69 : memref<32x128xf32, #tpu.memory_space<vmem>>) offsets(%dma_start3A_71 : memref<32xi32, #tpu.memory_space<vmem>>) semaphore(%arg15 : memref<!tpu.dma_semaphore, #tpu.memory_space<semaphore_mem>>)
    %dma_start3A_75 = arith.constant 256 : i32
    %dma_start3A_76 = arith.constant 0 : i32
    %dma_start3A_77 = tpu.memref_slice %arg7[%dma_start3A_75, %dma_start3A_76] : memref<512x128xf32, #tpu.memory_space<vmem>> -> memref<32x128xf32, #tpu.memory_space<vmem>>
    %dma_start3A_78 = arith.constant 256 : i32
    %dma_start3A_79 = tpu.memref_slice %arg6[%dma_start3A_78] : memref<512xi32, #tpu.memory_space<vmem>> -> memref<32xi32, #tpu.memory_space<vmem>>
    %dma_start3A_80 = arith.constant 0 : i32
    %dma_start3A_81 = arith.constant 0 : i32
    %dma_start3A_82 = tpu.memref_slice %arg5[%dma_start3A_80, %dma_start3A_81] : memref<1000x128xf32, #tpu.memory_space<vmem_shared>> -> memref<1000x128xf32, #tpu.memory_space<vmem_shared>>
    tpu.enqueue_indirect_dma source(%dma_start3A_82 : memref<1000x128xf32, #tpu.memory_space<vmem_shared>>) target(%dma_start3A_77 : memref<32x128xf32, #tpu.memory_space<vmem>>) offsets(%dma_start3A_79 : memref<32xi32, #tpu.memory_space<vmem>>) semaphore(%arg16 : memref<!tpu.dma_semaphore, #tpu.memory_space<semaphore_mem>>)
    %dma_start3A_83 = arith.constant 288 : i32
    %dma_start3A_84 = arith.constant 0 : i32
    %dma_start3A_85 = tpu.memref_slice %arg7[%dma_start3A_83, %dma_start3A_84] : memref<512x128xf32, #tpu.memory_space<vmem>> -> memref<32x128xf32, #tpu.memory_space<vmem>>
    %dma_start3A_86 = arith.constant 288 : i32
    %dma_start3A_87 = tpu.memref_slice %arg6[%dma_start3A_86] : memref<512xi32, #tpu.memory_space<vmem>> -> memref<32xi32, #tpu.memory_space<vmem>>
    %dma_start3A_88 = arith.constant 0 : i32
    %dma_start3A_89 = arith.constant 0 : i32
    %dma_start3A_90 = tpu.memref_slice %arg5[%dma_start3A_88, %dma_start3A_89] : memref<1000x128xf32, #tpu.memory_space<vmem_shared>> -> memref<1000x128xf32, #tpu.memory_space<vmem_shared>>
    tpu.enqueue_indirect_dma source(%dma_start3A_90 : memref<1000x128xf32, #tpu.memory_space<vmem_shared>>) target(%dma_start3A_85 : memref<32x128xf32, #tpu.memory_space<vmem>>) offsets(%dma_start3A_87 : memref<32xi32, #tpu.memory_space<vmem>>) semaphore(%arg17 : memref<!tpu.dma_semaphore, #tpu.memory_space<semaphore_mem>>)
    %dma_start3A_91 = arith.constant 320 : i32
    %dma_start3A_92 = arith.constant 0 : i32
    %dma_start3A_93 = tpu.memref_slice %arg7[%dma_start3A_91, %dma_start3A_92] : memref<512x128xf32, #tpu.memory_space<vmem>> -> memref<32x128xf32, #tpu.memory_space<vmem>>
    %dma_start3A_94 = arith.constant 320 : i32
    %dma_start3A_95 = tpu.memref_slice %arg6[%dma_start3A_94] : memref<512xi32, #tpu.memory_space<vmem>> -> memref<32xi32, #tpu.memory_space<vmem>>
    %dma_start3A_96 = arith.constant 0 : i32
    %dma_start3A_97 = arith.constant 0 : i32
    %dma_start3A_98 = tpu.memref_slice %arg5[%dma_start3A_96, %dma_start3A_97] : memref<1000x128xf32, #tpu.memory_space<vmem_shared>> -> memref<1000x128xf32, #tpu.memory_space<vmem_shared>>
    tpu.enqueue_indirect_dma source(%dma_start3A_98 : memref<1000x128xf32, #tpu.memory_space<vmem_shared>>) target(%dma_start3A_93 : memref<32x128xf32, #tpu.memory_space<vmem>>) offsets(%dma_start3A_95 : memref<32xi32, #tpu.memory_space<vmem>>) semaphore(%arg18 : memref<!tpu.dma_semaphore, #tpu.memory_space<semaphore_mem>>)
    %dma_start3A_99 = arith.constant 352 : i32
    %dma_start3A_100 = arith.constant 0 : i32
    %dma_start3A_101 = tpu.memref_slice %arg7[%dma_start3A_99, %dma_start3A_100] : memref<512x128xf32, #tpu.memory_space<vmem>> -> memref<32x128xf32, #tpu.memory_space<vmem>>
    %dma_start3A_102 = arith.constant 352 : i32
    %dma_start3A_103 = tpu.memref_slice %arg6[%dma_start3A_102] : memref<512xi32, #tpu.memory_space<vmem>> -> memref<32xi32, #tpu.memory_space<vmem>>
    %dma_start3A_104 = arith.constant 0 : i32
    %dma_start3A_105 = arith.constant 0 : i32
    %dma_start3A_106 = tpu.memref_slice %arg5[%dma_start3A_104, %dma_start3A_105] : memref<1000x128xf32, #tpu.memory_space<vmem_shared>> -> memref<1000x128xf32, #tpu.memory_space<vmem_shared>>
    tpu.enqueue_indirect_dma source(%dma_start3A_106 : memref<1000x128xf32, #tpu.memory_space<vmem_shared>>) target(%dma_start3A_101 : memref<32x128xf32, #tpu.memory_space<vmem>>) offsets(%dma_start3A_103 : memref<32xi32, #tpu.memory_space<vmem>>) semaphore(%arg19 : memref<!tpu.dma_semaphore, #tpu.memory_space<semaphore_mem>>)
    %dma_start3A_107 = arith.constant 384 : i32
    %dma_start3A_108 = arith.constant 0 : i32
    %dma_start3A_109 = tpu.memref_slice %arg7[%dma_start3A_107, %dma_start3A_108] : memref<512x128xf32, #tpu.memory_space<vmem>> -> memref<32x128xf32, #tpu.memory_space<vmem>>
    %dma_start3A_110 = arith.constant 384 : i32
    %dma_start3A_111 = tpu.memref_slice %arg6[%dma_start3A_110] : memref<512xi32, #tpu.memory_space<vmem>> -> memref<32xi32, #tpu.memory_space<vmem>>
    %dma_start3A_112 = arith.constant 0 : i32
    %dma_start3A_113 = arith.constant 0 : i32
    %dma_start3A_114 = tpu.memref_slice %arg5[%dma_start3A_112, %dma_start3A_113] : memref<1000x128xf32, #tpu.memory_space<vmem_shared>> -> memref<1000x128xf32, #tpu.memory_space<vmem_shared>>
    tpu.enqueue_indirect_dma source(%dma_start3A_114 : memref<1000x128xf32, #tpu.memory_space<vmem_shared>>) target(%dma_start3A_109 : memref<32x128xf32, #tpu.memory_space<vmem>>) offsets(%dma_start3A_111 : memref<32xi32, #tpu.memory_space<vmem>>) semaphore(%arg20 : memref<!tpu.dma_semaphore, #tpu.memory_space<semaphore_mem>>)
    %dma_start3A_115 = arith.constant 416 : i32
    %dma_start3A_116 = arith.constant 0 : i32
    %dma_start3A_117 = tpu.memref_slice %arg7[%dma_start3A_115, %dma_start3A_116] : memref<512x128xf32, #tpu.memory_space<vmem>> -> memref<32x128xf32, #tpu.memory_space<vmem>>
    %dma_start3A_118 = arith.constant 416 : i32
    %dma_start3A_119 = tpu.memref_slice %arg6[%dma_start3A_118] : memref<512xi32, #tpu.memory_space<vmem>> -> memref<32xi32, #tpu.memory_space<vmem>>
    %dma_start3A_120 = arith.constant 0 : i32
    %dma_start3A_121 = arith.constant 0 : i32
    %dma_start3A_122 = tpu.memref_slice %arg5[%dma_start3A_120, %dma_start3A_121] : memref<1000x128xf32, #tpu.memory_space<vmem_shared>> -> memref<1000x128xf32, #tpu.memory_space<vmem_shared>>
    tpu.enqueue_indirect_dma source(%dma_start3A_122 : memref<1000x128xf32, #tpu.memory_space<vmem_shared>>) target(%dma_start3A_117 : memref<32x128xf32, #tpu.memory_space<vmem>>) offsets(%dma_start3A_119 : memref<32xi32, #tpu.memory_space<vmem>>) semaphore(%arg21 : memref<!tpu.dma_semaphore, #tpu.memory_space<semaphore_mem>>)
    %dma_start3A_123 = arith.constant 448 : i32
    %dma_start3A_124 = arith.constant 0 : i32
    %dma_start3A_125 = tpu.memref_slice %arg7[%dma_start3A_123, %dma_start3A_124] : memref<512x128xf32, #tpu.memory_space<vmem>> -> memref<32x128xf32, #tpu.memory_space<vmem>>
    %dma_start3A_126 = arith.constant 448 : i32
    %dma_start3A_127 = tpu.memref_slice %arg6[%dma_start3A_126] : memref<512xi32, #tpu.memory_space<vmem>> -> memref<32xi32, #tpu.memory_space<vmem>>
    %dma_start3A_128 = arith.constant 0 : i32
    %dma_start3A_129 = arith.constant 0 : i32
    %dma_start3A_130 = tpu.memref_slice %arg5[%dma_start3A_128, %dma_start3A_129] : memref<1000x128xf32, #tpu.memory_space<vmem_shared>> -> memref<1000x128xf32, #tpu.memory_space<vmem_shared>>
    tpu.enqueue_indirect_dma source(%dma_start3A_130 : memref<1000x128xf32, #tpu.memory_space<vmem_shared>>) target(%dma_start3A_125 : memref<32x128xf32, #tpu.memory_space<vmem>>) offsets(%dma_start3A_127 : memref<32xi32, #tpu.memory_space<vmem>>) semaphore(%arg22 : memref<!tpu.dma_semaphore, #tpu.memory_space<semaphore_mem>>)
    %dma_start3A_131 = arith.constant 480 : i32
    %dma_start3A_132 = arith.constant 0 : i32
    %dma_start3A_133 = tpu.memref_slice %arg7[%dma_start3A_131, %dma_start3A_132] : memref<512x128xf32, #tpu.memory_space<vmem>> -> memref<32x128xf32, #tpu.memory_space<vmem>>
    %dma_start3A_134 = arith.constant 480 : i32
    %dma_start3A_135 = tpu.memref_slice %arg6[%dma_start3A_134] : memref<512xi32, #tpu.memory_space<vmem>> -> memref<32xi32, #tpu.memory_space<vmem>>
    %dma_start3A_136 = arith.constant 0 : i32
    %dma_start3A_137 = arith.constant 0 : i32
    %dma_start3A_138 = tpu.memref_slice %arg5[%dma_start3A_136, %dma_start3A_137] : memref<1000x128xf32, #tpu.memory_space<vmem_shared>> -> memref<1000x128xf32, #tpu.memory_space<vmem_shared>>
    tpu.enqueue_indirect_dma source(%dma_start3A_138 : memref<1000x128xf32, #tpu.memory_space<vmem_shared>>) target(%dma_start3A_133 : memref<32x128xf32, #tpu.memory_space<vmem>>) offsets(%dma_start3A_135 : memref<32xi32, #tpu.memory_space<vmem>>) semaphore(%arg23 : memref<!tpu.dma_semaphore, #tpu.memory_space<semaphore_mem>>)
    %dma_wait3A_139 = arith.constant 0 : i32
    %dma_wait3A_140 = arith.constant 0 : i32
    %dma_wait3A_141 = tpu.memref_slice %arg7[%dma_wait3A_139, %dma_wait3A_140] : memref<512x128xf32, #tpu.memory_space<vmem>> -> memref<32x128xf32, #tpu.memory_space<vmem>>
    %dma_wait3A_142 = arith.constant 0 : i32
    %dma_wait3A_143 = tpu.memref_slice %arg6[%dma_wait3A_142] : memref<512xi32, #tpu.memory_space<vmem>> -> memref<32xi32, #tpu.memory_space<vmem>>
    %dma_wait3A_144 = arith.constant 0 : i32
    %dma_wait3A_145 = arith.constant 0 : i32
    %dma_wait3A_146 = tpu.memref_slice %arg5[%dma_wait3A_144, %dma_wait3A_145] : memref<1000x128xf32, #tpu.memory_space<vmem_shared>> -> memref<1000x128xf32, #tpu.memory_space<vmem_shared>>
    tpu.wait_indirect_dma semaphore(%arg8 : memref<!tpu.dma_semaphore, #tpu.memory_space<semaphore_mem>>) src(%dma_wait3A_146 : memref<1000x128xf32, #tpu.memory_space<vmem_shared>>) dst(%dma_wait3A_141 : memref<32x128xf32, #tpu.memory_space<vmem>>)
    %add3A_147 = arith.constant 0 : i32
    %add3A_148 = arith.addi %mul3A_2, %add3A_147 : i32
    %dma_start3A_149 = arith.constant 0 : i32
    %dma_start3A_150 = arith.constant 0 : i32
    %dma_start3A_151 = tpu.memref_slice %arg7[%dma_start3A_149, %dma_start3A_150] : memref<512x128xf32, #tpu.memory_space<vmem>> -> memref<32x128xf32, #tpu.memory_space<vmem>>
    %dma_start3A_152 = arith.constant 0 : i32
    %dma_start3A_153 = tpu.memref_slice %arg4[%add3A_148, %dma_start3A_152] : memref<16384x128xf32, #tpu.memory_space<hbm>> -> memref<32x128xf32, #tpu.memory_space<hbm>>
    %dma_start3A_154 = arith.constant 0 : i32
    %dma_start3A_155 = tpu.memref_slice %arg4[%add3A_148, %dma_start3A_154] : memref<16384x128xf32, #tpu.memory_space<hbm>> -> memref<32x128xf32, #tpu.memory_space<hbm>>
    %dma_start3A_156 = arith.constant 0 : i32
    %dma_start3A_157 = arith.constant 0 : i32
    %dma_start3A_158 = tpu.memref_slice %arg7[%dma_start3A_156, %dma_start3A_157] : memref<512x128xf32, #tpu.memory_space<vmem>> -> memref<32x128xf32, #tpu.memory_space<vmem>>
    tpu.enqueue_dma source(%dma_start3A_158 : memref<32x128xf32, #tpu.memory_space<vmem>>) target(%dma_start3A_155 : memref<32x128xf32, #tpu.memory_space<hbm>>) target_semaphore(%arg24 : memref<!tpu.dma_semaphore, #tpu.memory_space<semaphore_mem>>)
    %dma_wait3A_159 = arith.constant 32 : i32
    %dma_wait3A_160 = arith.constant 0 : i32
    %dma_wait3A_161 = tpu.memref_slice %arg7[%dma_wait3A_159, %dma_wait3A_160] : memref<512x128xf32, #tpu.memory_space<vmem>> -> memref<32x128xf32, #tpu.memory_space<vmem>>
    %dma_wait3A_162 = arith.constant 32 : i32
    %dma_wait3A_163 = tpu.memref_slice %arg6[%dma_wait3A_162] : memref<512xi32, #tpu.memory_space<vmem>> -> memref<32xi32, #tpu.memory_space<vmem>>
    %dma_wait3A_164 = arith.constant 0 : i32
    %dma_wait3A_165 = arith.constant 0 : i32
    %dma_wait3A_166 = tpu.memref_slice %arg5[%dma_wait3A_164, %dma_wait3A_165] : memref<1000x128xf32, #tpu.memory_space<vmem_shared>> -> memref<1000x128xf32, #tpu.memory_space<vmem_shared>>
    tpu.wait_indirect_dma semaphore(%arg9 : memref<!tpu.dma_semaphore, #tpu.memory_space<semaphore_mem>>) src(%dma_wait3A_166 : memref<1000x128xf32, #tpu.memory_space<vmem_shared>>) dst(%dma_wait3A_161 : memref<32x128xf32, #tpu.memory_space<vmem>>)
    %add3A_167 = arith.constant 32 : i32
    %add3A_168 = arith.addi %mul3A_2, %add3A_167 : i32
    %dma_start3A_169 = arith.constant 32 : i32
    %dma_start3A_170 = arith.constant 0 : i32
    %dma_start3A_171 = tpu.memref_slice %arg7[%dma_start3A_169, %dma_start3A_170] : memref<512x128xf32, #tpu.memory_space<vmem>> -> memref<32x128xf32, #tpu.memory_space<vmem>>
    %dma_start3A_172 = arith.constant 0 : i32
    %dma_start3A_173 = tpu.memref_slice %arg4[%add3A_168, %dma_start3A_172] : memref<16384x128xf32, #tpu.memory_space<hbm>> -> memref<32x128xf32, #tpu.memory_space<hbm>>
    %dma_start3A_174 = arith.constant 0 : i32
    %dma_start3A_175 = tpu.memref_slice %arg4[%add3A_168, %dma_start3A_174] : memref<16384x128xf32, #tpu.memory_space<hbm>> -> memref<32x128xf32, #tpu.memory_space<hbm>>
    %dma_start3A_176 = arith.constant 32 : i32
    %dma_start3A_177 = arith.constant 0 : i32
    %dma_start3A_178 = tpu.memref_slice %arg7[%dma_start3A_176, %dma_start3A_177] : memref<512x128xf32, #tpu.memory_space<vmem>> -> memref<32x128xf32, #tpu.memory_space<vmem>>
    tpu.enqueue_dma source(%dma_start3A_178 : memref<32x128xf32, #tpu.memory_space<vmem>>) target(%dma_start3A_175 : memref<32x128xf32, #tpu.memory_space<hbm>>) target_semaphore(%arg24 : memref<!tpu.dma_semaphore, #tpu.memory_space<semaphore_mem>>)
    %dma_wait3A_179 = arith.constant 64 : i32
    %dma_wait3A_180 = arith.constant 0 : i32
    %dma_wait3A_181 = tpu.memref_slice %arg7[%dma_wait3A_179, %dma_wait3A_180] : memref<512x128xf32, #tpu.memory_space<vmem>> -> memref<32x128xf32, #tpu.memory_space<vmem>>
    %dma_wait3A_182 = arith.constant 64 : i32
    %dma_wait3A_183 = tpu.memref_slice %arg6[%dma_wait3A_182] : memref<512xi32, #tpu.memory_space<vmem>> -> memref<32xi32, #tpu.memory_space<vmem>>
    %dma_wait3A_184 = arith.constant 0 : i32
    %dma_wait3A_185 = arith.constant 0 : i32
    %dma_wait3A_186 = tpu.memref_slice %arg5[%dma_wait3A_184, %dma_wait3A_185] : memref<1000x128xf32, #tpu.memory_space<vmem_shared>> -> memref<1000x128xf32, #tpu.memory_space<vmem_shared>>
    tpu.wait_indirect_dma semaphore(%arg10 : memref<!tpu.dma_semaphore, #tpu.memory_space<semaphore_mem>>) src(%dma_wait3A_186 : memref<1000x128xf32, #tpu.memory_space<vmem_shared>>) dst(%dma_wait3A_181 : memref<32x128xf32, #tpu.memory_space<vmem>>)
    %add3A_187 = arith.constant 64 : i32
    %add3A_188 = arith.addi %mul3A_2, %add3A_187 : i32
    %dma_start3A_189 = arith.constant 64 : i32
    %dma_start3A_190 = arith.constant 0 : i32
    %dma_start3A_191 = tpu.memref_slice %arg7[%dma_start3A_189, %dma_start3A_190] : memref<512x128xf32, #tpu.memory_space<vmem>> -> memref<32x128xf32, #tpu.memory_space<vmem>>
    %dma_start3A_192 = arith.constant 0 : i32
    %dma_start3A_193 = tpu.memref_slice %arg4[%add3A_188, %dma_start3A_192] : memref<16384x128xf32, #tpu.memory_space<hbm>> -> memref<32x128xf32, #tpu.memory_space<hbm>>
    %dma_start3A_194 = arith.constant 0 : i32
    %dma_start3A_195 = tpu.memref_slice %arg4[%add3A_188, %dma_start3A_194] : memref<16384x128xf32, #tpu.memory_space<hbm>> -> memref<32x128xf32, #tpu.memory_space<hbm>>
    %dma_start3A_196 = arith.constant 64 : i32
    %dma_start3A_197 = arith.constant 0 : i32
    %dma_start3A_198 = tpu.memref_slice %arg7[%dma_start3A_196, %dma_start3A_197] : memref<512x128xf32, #tpu.memory_space<vmem>> -> memref<32x128xf32, #tpu.memory_space<vmem>>
    tpu.enqueue_dma source(%dma_start3A_198 : memref<32x128xf32, #tpu.memory_space<vmem>>) target(%dma_start3A_195 : memref<32x128xf32, #tpu.memory_space<hbm>>) target_semaphore(%arg24 : memref<!tpu.dma_semaphore, #tpu.memory_space<semaphore_mem>>)
    %dma_wait3A_199 = arith.constant 96 : i32
    %dma_wait3A_200 = arith.constant 0 : i32
    %dma_wait3A_201 = tpu.memref_slice %arg7[%dma_wait3A_199, %dma_wait3A_200] : memref<512x128xf32, #tpu.memory_space<vmem>> -> memref<32x128xf32, #tpu.memory_space<vmem>>
    %dma_wait3A_202 = arith.constant 96 : i32
    %dma_wait3A_203 = tpu.memref_slice %arg6[%dma_wait3A_202] : memref<512xi32, #tpu.memory_space<vmem>> -> memref<32xi32, #tpu.memory_space<vmem>>
    %dma_wait3A_204 = arith.constant 0 : i32
    %dma_wait3A_205 = arith.constant 0 : i32
    %dma_wait3A_206 = tpu.memref_slice %arg5[%dma_wait3A_204, %dma_wait3A_205] : memref<1000x128xf32, #tpu.memory_space<vmem_shared>> -> memref<1000x128xf32, #tpu.memory_space<vmem_shared>>
    tpu.wait_indirect_dma semaphore(%arg11 : memref<!tpu.dma_semaphore, #tpu.memory_space<semaphore_mem>>) src(%dma_wait3A_206 : memref<1000x128xf32, #tpu.memory_space<vmem_shared>>) dst(%dma_wait3A_201 : memref<32x128xf32, #tpu.memory_space<vmem>>)
    %add3A_207 = arith.constant 96 : i32
    %add3A_208 = arith.addi %mul3A_2, %add3A_207 : i32
    %dma_start3A_209 = arith.constant 96 : i32
    %dma_start3A_210 = arith.constant 0 : i32
    %dma_start3A_211 = tpu.memref_slice %arg7[%dma_start3A_209, %dma_start3A_210] : memref<512x128xf32, #tpu.memory_space<vmem>> -> memref<32x128xf32, #tpu.memory_space<vmem>>
    %dma_start3A_212 = arith.constant 0 : i32
    %dma_start3A_213 = tpu.memref_slice %arg4[%add3A_208, %dma_start3A_212] : memref<16384x128xf32, #tpu.memory_space<hbm>> -> memref<32x128xf32, #tpu.memory_space<hbm>>
    %dma_start3A_214 = arith.constant 0 : i32
    %dma_start3A_215 = tpu.memref_slice %arg4[%add3A_208, %dma_start3A_214] : memref<16384x128xf32, #tpu.memory_space<hbm>> -> memref<32x128xf32, #tpu.memory_space<hbm>>
    %dma_start3A_216 = arith.constant 96 : i32
    %dma_start3A_217 = arith.constant 0 : i32
    %dma_start3A_218 = tpu.memref_slice %arg7[%dma_start3A_216, %dma_start3A_217] : memref<512x128xf32, #tpu.memory_space<vmem>> -> memref<32x128xf32, #tpu.memory_space<vmem>>
    tpu.enqueue_dma source(%dma_start3A_218 : memref<32x128xf32, #tpu.memory_space<vmem>>) target(%dma_start3A_215 : memref<32x128xf32, #tpu.memory_space<hbm>>) target_semaphore(%arg24 : memref<!tpu.dma_semaphore, #tpu.memory_space<semaphore_mem>>)
    %dma_wait3A_219 = arith.constant 128 : i32
    %dma_wait3A_220 = arith.constant 0 : i32
    %dma_wait3A_221 = tpu.memref_slice %arg7[%dma_wait3A_219, %dma_wait3A_220] : memref<512x128xf32, #tpu.memory_space<vmem>> -> memref<32x128xf32, #tpu.memory_space<vmem>>
    %dma_wait3A_222 = arith.constant 128 : i32
    %dma_wait3A_223 = tpu.memref_slice %arg6[%dma_wait3A_222] : memref<512xi32, #tpu.memory_space<vmem>> -> memref<32xi32, #tpu.memory_space<vmem>>
    %dma_wait3A_224 = arith.constant 0 : i32
    %dma_wait3A_225 = arith.constant 0 : i32
    %dma_wait3A_226 = tpu.memref_slice %arg5[%dma_wait3A_224, %dma_wait3A_225] : memref<1000x128xf32, #tpu.memory_space<vmem_shared>> -> memref<1000x128xf32, #tpu.memory_space<vmem_shared>>
    tpu.wait_indirect_dma semaphore(%arg12 : memref<!tpu.dma_semaphore, #tpu.memory_space<semaphore_mem>>) src(%dma_wait3A_226 : memref<1000x128xf32, #tpu.memory_space<vmem_shared>>) dst(%dma_wait3A_221 : memref<32x128xf32, #tpu.memory_space<vmem>>)
    %add3A_227 = arith.constant 128 : i32
    %add3A_228 = arith.addi %mul3A_2, %add3A_227 : i32
    %dma_start3A_229 = arith.constant 128 : i32
    %dma_start3A_230 = arith.constant 0 : i32
    %dma_start3A_231 = tpu.memref_slice %arg7[%dma_start3A_229, %dma_start3A_230] : memref<512x128xf32, #tpu.memory_space<vmem>> -> memref<32x128xf32, #tpu.memory_space<vmem>>
    %dma_start3A_232 = arith.constant 0 : i32
    %dma_start3A_233 = tpu.memref_slice %arg4[%add3A_228, %dma_start3A_232] : memref<16384x128xf32, #tpu.memory_space<hbm>> -> memref<32x128xf32, #tpu.memory_space<hbm>>
    %dma_start3A_234 = arith.constant 0 : i32
    %dma_start3A_235 = tpu.memref_slice %arg4[%add3A_228, %dma_start3A_234] : memref<16384x128xf32, #tpu.memory_space<hbm>> -> memref<32x128xf32, #tpu.memory_space<hbm>>
    %dma_start3A_236 = arith.constant 128 : i32
    %dma_start3A_237 = arith.constant 0 : i32
    %dma_start3A_238 = tpu.memref_slice %arg7[%dma_start3A_236, %dma_start3A_237] : memref<512x128xf32, #tpu.memory_space<vmem>> -> memref<32x128xf32, #tpu.memory_space<vmem>>
    tpu.enqueue_dma source(%dma_start3A_238 : memref<32x128xf32, #tpu.memory_space<vmem>>) target(%dma_start3A_235 : memref<32x128xf32, #tpu.memory_space<hbm>>) target_semaphore(%arg24 : memref<!tpu.dma_semaphore, #tpu.memory_space<semaphore_mem>>)
    %dma_wait3A_239 = arith.constant 160 : i32
    %dma_wait3A_240 = arith.constant 0 : i32
    %dma_wait3A_241 = tpu.memref_slice %arg7[%dma_wait3A_239, %dma_wait3A_240] : memref<512x128xf32, #tpu.memory_space<vmem>> -> memref<32x128xf32, #tpu.memory_space<vmem>>
    %dma_wait3A_242 = arith.constant 160 : i32
    %dma_wait3A_243 = tpu.memref_slice %arg6[%dma_wait3A_242] : memref<512xi32, #tpu.memory_space<vmem>> -> memref<32xi32, #tpu.memory_space<vmem>>
    %dma_wait3A_244 = arith.constant 0 : i32
    %dma_wait3A_245 = arith.constant 0 : i32
    %dma_wait3A_246 = tpu.memref_slice %arg5[%dma_wait3A_244, %dma_wait3A_245] : memref<1000x128xf32, #tpu.memory_space<vmem_shared>> -> memref<1000x128xf32, #tpu.memory_space<vmem_shared>>
    tpu.wait_indirect_dma semaphore(%arg13 : memref<!tpu.dma_semaphore, #tpu.memory_space<semaphore_mem>>) src(%dma_wait3A_246 : memref<1000x128xf32, #tpu.memory_space<vmem_shared>>) dst(%dma_wait3A_241 : memref<32x128xf32, #tpu.memory_space<vmem>>)
    %add3A_247 = arith.constant 160 : i32
    %add3A_248 = arith.addi %mul3A_2, %add3A_247 : i32
    %dma_start3A_249 = arith.constant 160 : i32
    %dma_start3A_250 = arith.constant 0 : i32
    %dma_start3A_251 = tpu.memref_slice %arg7[%dma_start3A_249, %dma_start3A_250] : memref<512x128xf32, #tpu.memory_space<vmem>> -> memref<32x128xf32, #tpu.memory_space<vmem>>
    %dma_start3A_252 = arith.constant 0 : i32
    %dma_start3A_253 = tpu.memref_slice %arg4[%add3A_248, %dma_start3A_252] : memref<16384x128xf32, #tpu.memory_space<hbm>> -> memref<32x128xf32, #tpu.memory_space<hbm>>
    %dma_start3A_254 = arith.constant 0 : i32
    %dma_start3A_255 = tpu.memref_slice %arg4[%add3A_248, %dma_start3A_254] : memref<16384x128xf32, #tpu.memory_space<hbm>> -> memref<32x128xf32, #tpu.memory_space<hbm>>
    %dma_start3A_256 = arith.constant 160 : i32
    %dma_start3A_257 = arith.constant 0 : i32
    %dma_start3A_258 = tpu.memref_slice %arg7[%dma_start3A_256, %dma_start3A_257] : memref<512x128xf32, #tpu.memory_space<vmem>> -> memref<32x128xf32, #tpu.memory_space<vmem>>
    tpu.enqueue_dma source(%dma_start3A_258 : memref<32x128xf32, #tpu.memory_space<vmem>>) target(%dma_start3A_255 : memref<32x128xf32, #tpu.memory_space<hbm>>) target_semaphore(%arg24 : memref<!tpu.dma_semaphore, #tpu.memory_space<semaphore_mem>>)
    %dma_wait3A_259 = arith.constant 192 : i32
    %dma_wait3A_260 = arith.constant 0 : i32
    %dma_wait3A_261 = tpu.memref_slice %arg7[%dma_wait3A_259, %dma_wait3A_260] : memref<512x128xf32, #tpu.memory_space<vmem>> -> memref<32x128xf32, #tpu.memory_space<vmem>>
    %dma_wait3A_262 = arith.constant 192 : i32
    %dma_wait3A_263 = tpu.memref_slice %arg6[%dma_wait3A_262] : memref<512xi32, #tpu.memory_space<vmem>> -> memref<32xi32, #tpu.memory_space<vmem>>
    %dma_wait3A_264 = arith.constant 0 : i32
    %dma_wait3A_265 = arith.constant 0 : i32
    %dma_wait3A_266 = tpu.memref_slice %arg5[%dma_wait3A_264, %dma_wait3A_265] : memref<1000x128xf32, #tpu.memory_space<vmem_shared>> -> memref<1000x128xf32, #tpu.memory_space<vmem_shared>>
    tpu.wait_indirect_dma semaphore(%arg14 : memref<!tpu.dma_semaphore, #tpu.memory_space<semaphore_mem>>) src(%dma_wait3A_266 : memref<1000x128xf32, #tpu.memory_space<vmem_shared>>) dst(%dma_wait3A_261 : memref<32x128xf32, #tpu.memory_space<vmem>>)
    %add3A_267 = arith.constant 192 : i32
    %add3A_268 = arith.addi %mul3A_2, %add3A_267 : i32
    %dma_start3A_269 = arith.constant 192 : i32
    %dma_start3A_270 = arith.constant 0 : i32
    %dma_start3A_271 = tpu.memref_slice %arg7[%dma_start3A_269, %dma_start3A_270] : memref<512x128xf32, #tpu.memory_space<vmem>> -> memref<32x128xf32, #tpu.memory_space<vmem>>
    %dma_start3A_272 = arith.constant 0 : i32
    %dma_start3A_273 = tpu.memref_slice %arg4[%add3A_268, %dma_start3A_272] : memref<16384x128xf32, #tpu.memory_space<hbm>> -> memref<32x128xf32, #tpu.memory_space<hbm>>
    %dma_start3A_274 = arith.constant 0 : i32
    %dma_start3A_275 = tpu.memref_slice %arg4[%add3A_268, %dma_start3A_274] : memref<16384x128xf32, #tpu.memory_space<hbm>> -> memref<32x128xf32, #tpu.memory_space<hbm>>
    %dma_start3A_276 = arith.constant 192 : i32
    %dma_start3A_277 = arith.constant 0 : i32
    %dma_start3A_278 = tpu.memref_slice %arg7[%dma_start3A_276, %dma_start3A_277] : memref<512x128xf32, #tpu.memory_space<vmem>> -> memref<32x128xf32, #tpu.memory_space<vmem>>
    tpu.enqueue_dma source(%dma_start3A_278 : memref<32x128xf32, #tpu.memory_space<vmem>>) target(%dma_start3A_275 : memref<32x128xf32, #tpu.memory_space<hbm>>) target_semaphore(%arg24 : memref<!tpu.dma_semaphore, #tpu.memory_space<semaphore_mem>>)
    %dma_wait3A_279 = arith.constant 224 : i32
    %dma_wait3A_280 = arith.constant 0 : i32
    %dma_wait3A_281 = tpu.memref_slice %arg7[%dma_wait3A_279, %dma_wait3A_280] : memref<512x128xf32, #tpu.memory_space<vmem>> -> memref<32x128xf32, #tpu.memory_space<vmem>>
    %dma_wait3A_282 = arith.constant 224 : i32
    %dma_wait3A_283 = tpu.memref_slice %arg6[%dma_wait3A_282] : memref<512xi32, #tpu.memory_space<vmem>> -> memref<32xi32, #tpu.memory_space<vmem>>
    %dma_wait3A_284 = arith.constant 0 : i32
    %dma_wait3A_285 = arith.constant 0 : i32
    %dma_wait3A_286 = tpu.memref_slice %arg5[%dma_wait3A_284, %dma_wait3A_285] : memref<1000x128xf32, #tpu.memory_space<vmem_shared>> -> memref<1000x128xf32, #tpu.memory_space<vmem_shared>>
    tpu.wait_indirect_dma semaphore(%arg15 : memref<!tpu.dma_semaphore, #tpu.memory_space<semaphore_mem>>) src(%dma_wait3A_286 : memref<1000x128xf32, #tpu.memory_space<vmem_shared>>) dst(%dma_wait3A_281 : memref<32x128xf32, #tpu.memory_space<vmem>>)
    %add3A_287 = arith.constant 224 : i32
    %add3A_288 = arith.addi %mul3A_2, %add3A_287 : i32
    %dma_start3A_289 = arith.constant 224 : i32
    %dma_start3A_290 = arith.constant 0 : i32
    %dma_start3A_291 = tpu.memref_slice %arg7[%dma_start3A_289, %dma_start3A_290] : memref<512x128xf32, #tpu.memory_space<vmem>> -> memref<32x128xf32, #tpu.memory_space<vmem>>
    %dma_start3A_292 = arith.constant 0 : i32
    %dma_start3A_293 = tpu.memref_slice %arg4[%add3A_288, %dma_start3A_292] : memref<16384x128xf32, #tpu.memory_space<hbm>> -> memref<32x128xf32, #tpu.memory_space<hbm>>
    %dma_start3A_294 = arith.constant 0 : i32
    %dma_start3A_295 = tpu.memref_slice %arg4[%add3A_288, %dma_start3A_294] : memref<16384x128xf32, #tpu.memory_space<hbm>> -> memref<32x128xf32, #tpu.memory_space<hbm>>
    %dma_start3A_296 = arith.constant 224 : i32
    %dma_start3A_297 = arith.constant 0 : i32
    %dma_start3A_298 = tpu.memref_slice %arg7[%dma_start3A_296, %dma_start3A_297] : memref<512x128xf32, #tpu.memory_space<vmem>> -> memref<32x128xf32, #tpu.memory_space<vmem>>
    tpu.enqueue_dma source(%dma_start3A_298 : memref<32x128xf32, #tpu.memory_space<vmem>>) target(%dma_start3A_295 : memref<32x128xf32, #tpu.memory_space<hbm>>) target_semaphore(%arg24 : memref<!tpu.dma_semaphore, #tpu.memory_space<semaphore_mem>>)
    %dma_wait3A_299 = arith.constant 256 : i32
    %dma_wait3A_300 = arith.constant 0 : i32
    %dma_wait3A_301 = tpu.memref_slice %arg7[%dma_wait3A_299, %dma_wait3A_300] : memref<512x128xf32, #tpu.memory_space<vmem>> -> memref<32x128xf32, #tpu.memory_space<vmem>>
    %dma_wait3A_302 = arith.constant 256 : i32
    %dma_wait3A_303 = tpu.memref_slice %arg6[%dma_wait3A_302] : memref<512xi32, #tpu.memory_space<vmem>> -> memref<32xi32, #tpu.memory_space<vmem>>
    %dma_wait3A_304 = arith.constant 0 : i32
    %dma_wait3A_305 = arith.constant 0 : i32
    %dma_wait3A_306 = tpu.memref_slice %arg5[%dma_wait3A_304, %dma_wait3A_305] : memref<1000x128xf32, #tpu.memory_space<vmem_shared>> -> memref<1000x128xf32, #tpu.memory_space<vmem_shared>>
    tpu.wait_indirect_dma semaphore(%arg16 : memref<!tpu.dma_semaphore, #tpu.memory_space<semaphore_mem>>) src(%dma_wait3A_306 : memref<1000x128xf32, #tpu.memory_space<vmem_shared>>) dst(%dma_wait3A_301 : memref<32x128xf32, #tpu.memory_space<vmem>>)
    %add3A_307 = arith.constant 256 : i32
    %add3A_308 = arith.addi %mul3A_2, %add3A_307 : i32
    %dma_start3A_309 = arith.constant 256 : i32
    %dma_start3A_310 = arith.constant 0 : i32
    %dma_start3A_311 = tpu.memref_slice %arg7[%dma_start3A_309, %dma_start3A_310] : memref<512x128xf32, #tpu.memory_space<vmem>> -> memref<32x128xf32, #tpu.memory_space<vmem>>
    %dma_start3A_312 = arith.constant 0 : i32
    %dma_start3A_313 = tpu.memref_slice %arg4[%add3A_308, %dma_start3A_312] : memref<16384x128xf32, #tpu.memory_space<hbm>> -> memref<32x128xf32, #tpu.memory_space<hbm>>
    %dma_start3A_314 = arith.constant 0 : i32
    %dma_start3A_315 = tpu.memref_slice %arg4[%add3A_308, %dma_start3A_314] : memref<16384x128xf32, #tpu.memory_space<hbm>> -> memref<32x128xf32, #tpu.memory_space<hbm>>
    %dma_start3A_316 = arith.constant 256 : i32
    %dma_start3A_317 = arith.constant 0 : i32
    %dma_start3A_318 = tpu.memref_slice %arg7[%dma_start3A_316, %dma_start3A_317] : memref<512x128xf32, #tpu.memory_space<vmem>> -> memref<32x128xf32, #tpu.memory_space<vmem>>
    tpu.enqueue_dma source(%dma_start3A_318 : memref<32x128xf32, #tpu.memory_space<vmem>>) target(%dma_start3A_315 : memref<32x128xf32, #tpu.memory_space<hbm>>) target_semaphore(%arg24 : memref<!tpu.dma_semaphore, #tpu.memory_space<semaphore_mem>>)
    %dma_wait3A_319 = arith.constant 288 : i32
    %dma_wait3A_320 = arith.constant 0 : i32
    %dma_wait3A_321 = tpu.memref_slice %arg7[%dma_wait3A_319, %dma_wait3A_320] : memref<512x128xf32, #tpu.memory_space<vmem>> -> memref<32x128xf32, #tpu.memory_space<vmem>>
    %dma_wait3A_322 = arith.constant 288 : i32
    %dma_wait3A_323 = tpu.memref_slice %arg6[%dma_wait3A_322] : memref<512xi32, #tpu.memory_space<vmem>> -> memref<32xi32, #tpu.memory_space<vmem>>
    %dma_wait3A_324 = arith.constant 0 : i32
    %dma_wait3A_325 = arith.constant 0 : i32
    %dma_wait3A_326 = tpu.memref_slice %arg5[%dma_wait3A_324, %dma_wait3A_325] : memref<1000x128xf32, #tpu.memory_space<vmem_shared>> -> memref<1000x128xf32, #tpu.memory_space<vmem_shared>>
    tpu.wait_indirect_dma semaphore(%arg17 : memref<!tpu.dma_semaphore, #tpu.memory_space<semaphore_mem>>) src(%dma_wait3A_326 : memref<1000x128xf32, #tpu.memory_space<vmem_shared>>) dst(%dma_wait3A_321 : memref<32x128xf32, #tpu.memory_space<vmem>>)
    %add3A_327 = arith.constant 288 : i32
    %add3A_328 = arith.addi %mul3A_2, %add3A_327 : i32
    %dma_start3A_329 = arith.constant 288 : i32
    %dma_start3A_330 = arith.constant 0 : i32
    %dma_start3A_331 = tpu.memref_slice %arg7[%dma_start3A_329, %dma_start3A_330] : memref<512x128xf32, #tpu.memory_space<vmem>> -> memref<32x128xf32, #tpu.memory_space<vmem>>
    %dma_start3A_332 = arith.constant 0 : i32
    %dma_start3A_333 = tpu.memref_slice %arg4[%add3A_328, %dma_start3A_332] : memref<16384x128xf32, #tpu.memory_space<hbm>> -> memref<32x128xf32, #tpu.memory_space<hbm>>
    %dma_start3A_334 = arith.constant 0 : i32
    %dma_start3A_335 = tpu.memref_slice %arg4[%add3A_328, %dma_start3A_334] : memref<16384x128xf32, #tpu.memory_space<hbm>> -> memref<32x128xf32, #tpu.memory_space<hbm>>
    %dma_start3A_336 = arith.constant 288 : i32
    %dma_start3A_337 = arith.constant 0 : i32
    %dma_start3A_338 = tpu.memref_slice %arg7[%dma_start3A_336, %dma_start3A_337] : memref<512x128xf32, #tpu.memory_space<vmem>> -> memref<32x128xf32, #tpu.memory_space<vmem>>
    tpu.enqueue_dma source(%dma_start3A_338 : memref<32x128xf32, #tpu.memory_space<vmem>>) target(%dma_start3A_335 : memref<32x128xf32, #tpu.memory_space<hbm>>) target_semaphore(%arg24 : memref<!tpu.dma_semaphore, #tpu.memory_space<semaphore_mem>>)
    %dma_wait3A_339 = arith.constant 320 : i32
    %dma_wait3A_340 = arith.constant 0 : i32
    %dma_wait3A_341 = tpu.memref_slice %arg7[%dma_wait3A_339, %dma_wait3A_340] : memref<512x128xf32, #tpu.memory_space<vmem>> -> memref<32x128xf32, #tpu.memory_space<vmem>>
    %dma_wait3A_342 = arith.constant 320 : i32
    %dma_wait3A_343 = tpu.memref_slice %arg6[%dma_wait3A_342] : memref<512xi32, #tpu.memory_space<vmem>> -> memref<32xi32, #tpu.memory_space<vmem>>
    %dma_wait3A_344 = arith.constant 0 : i32
    %dma_wait3A_345 = arith.constant 0 : i32
    %dma_wait3A_346 = tpu.memref_slice %arg5[%dma_wait3A_344, %dma_wait3A_345] : memref<1000x128xf32, #tpu.memory_space<vmem_shared>> -> memref<1000x128xf32, #tpu.memory_space<vmem_shared>>
    tpu.wait_indirect_dma semaphore(%arg18 : memref<!tpu.dma_semaphore, #tpu.memory_space<semaphore_mem>>) src(%dma_wait3A_346 : memref<1000x128xf32, #tpu.memory_space<vmem_shared>>) dst(%dma_wait3A_341 : memref<32x128xf32, #tpu.memory_space<vmem>>)
    %add3A_347 = arith.constant 320 : i32
    %add3A_348 = arith.addi %mul3A_2, %add3A_347 : i32
    %dma_start3A_349 = arith.constant 320 : i32
    %dma_start3A_350 = arith.constant 0 : i32
    %dma_start3A_351 = tpu.memref_slice %arg7[%dma_start3A_349, %dma_start3A_350] : memref<512x128xf32, #tpu.memory_space<vmem>> -> memref<32x128xf32, #tpu.memory_space<vmem>>
    %dma_start3A_352 = arith.constant 0 : i32
    %dma_start3A_353 = tpu.memref_slice %arg4[%add3A_348, %dma_start3A_352] : memref<16384x128xf32, #tpu.memory_space<hbm>> -> memref<32x128xf32, #tpu.memory_space<hbm>>
    %dma_start3A_354 = arith.constant 0 : i32
    %dma_start3A_355 = tpu.memref_slice %arg4[%add3A_348, %dma_start3A_354] : memref<16384x128xf32, #tpu.memory_space<hbm>> -> memref<32x128xf32, #tpu.memory_space<hbm>>
    %dma_start3A_356 = arith.constant 320 : i32
    %dma_start3A_357 = arith.constant 0 : i32
    %dma_start3A_358 = tpu.memref_slice %arg7[%dma_start3A_356, %dma_start3A_357] : memref<512x128xf32, #tpu.memory_space<vmem>> -> memref<32x128xf32, #tpu.memory_space<vmem>>
    tpu.enqueue_dma source(%dma_start3A_358 : memref<32x128xf32, #tpu.memory_space<vmem>>) target(%dma_start3A_355 : memref<32x128xf32, #tpu.memory_space<hbm>>) target_semaphore(%arg24 : memref<!tpu.dma_semaphore, #tpu.memory_space<semaphore_mem>>)
    %dma_wait3A_359 = arith.constant 352 : i32
    %dma_wait3A_360 = arith.constant 0 : i32
    %dma_wait3A_361 = tpu.memref_slice %arg7[%dma_wait3A_359, %dma_wait3A_360] : memref<512x128xf32, #tpu.memory_space<vmem>> -> memref<32x128xf32, #tpu.memory_space<vmem>>
    %dma_wait3A_362 = arith.constant 352 : i32
    %dma_wait3A_363 = tpu.memref_slice %arg6[%dma_wait3A_362] : memref<512xi32, #tpu.memory_space<vmem>> -> memref<32xi32, #tpu.memory_space<vmem>>
    %dma_wait3A_364 = arith.constant 0 : i32
    %dma_wait3A_365 = arith.constant 0 : i32
    %dma_wait3A_366 = tpu.memref_slice %arg5[%dma_wait3A_364, %dma_wait3A_365] : memref<1000x128xf32, #tpu.memory_space<vmem_shared>> -> memref<1000x128xf32, #tpu.memory_space<vmem_shared>>
    tpu.wait_indirect_dma semaphore(%arg19 : memref<!tpu.dma_semaphore, #tpu.memory_space<semaphore_mem>>) src(%dma_wait3A_366 : memref<1000x128xf32, #tpu.memory_space<vmem_shared>>) dst(%dma_wait3A_361 : memref<32x128xf32, #tpu.memory_space<vmem>>)
    %add3A_367 = arith.constant 352 : i32
    %add3A_368 = arith.addi %mul3A_2, %add3A_367 : i32
    %dma_start3A_369 = arith.constant 352 : i32
    %dma_start3A_370 = arith.constant 0 : i32
    %dma_start3A_371 = tpu.memref_slice %arg7[%dma_start3A_369, %dma_start3A_370] : memref<512x128xf32, #tpu.memory_space<vmem>> -> memref<32x128xf32, #tpu.memory_space<vmem>>
    %dma_start3A_372 = arith.constant 0 : i32
    %dma_start3A_373 = tpu.memref_slice %arg4[%add3A_368, %dma_start3A_372] : memref<16384x128xf32, #tpu.memory_space<hbm>> -> memref<32x128xf32, #tpu.memory_space<hbm>>
    %dma_start3A_374 = arith.constant 0 : i32
    %dma_start3A_375 = tpu.memref_slice %arg4[%add3A_368, %dma_start3A_374] : memref<16384x128xf32, #tpu.memory_space<hbm>> -> memref<32x128xf32, #tpu.memory_space<hbm>>
    %dma_start3A_376 = arith.constant 352 : i32
    %dma_start3A_377 = arith.constant 0 : i32
    %dma_start3A_378 = tpu.memref_slice %arg7[%dma_start3A_376, %dma_start3A_377] : memref<512x128xf32, #tpu.memory_space<vmem>> -> memref<32x128xf32, #tpu.memory_space<vmem>>
    tpu.enqueue_dma source(%dma_start3A_378 : memref<32x128xf32, #tpu.memory_space<vmem>>) target(%dma_start3A_375 : memref<32x128xf32, #tpu.memory_space<hbm>>) target_semaphore(%arg24 : memref<!tpu.dma_semaphore, #tpu.memory_space<semaphore_mem>>)
    %dma_wait3A_379 = arith.constant 384 : i32
    %dma_wait3A_380 = arith.constant 0 : i32
    %dma_wait3A_381 = tpu.memref_slice %arg7[%dma_wait3A_379, %dma_wait3A_380] : memref<512x128xf32, #tpu.memory_space<vmem>> -> memref<32x128xf32, #tpu.memory_space<vmem>>
    %dma_wait3A_382 = arith.constant 384 : i32
    %dma_wait3A_383 = tpu.memref_slice %arg6[%dma_wait3A_382] : memref<512xi32, #tpu.memory_space<vmem>> -> memref<32xi32, #tpu.memory_space<vmem>>
    %dma_wait3A_384 = arith.constant 0 : i32
    %dma_wait3A_385 = arith.constant 0 : i32
    %dma_wait3A_386 = tpu.memref_slice %arg5[%dma_wait3A_384, %dma_wait3A_385] : memref<1000x128xf32, #tpu.memory_space<vmem_shared>> -> memref<1000x128xf32, #tpu.memory_space<vmem_shared>>
    tpu.wait_indirect_dma semaphore(%arg20 : memref<!tpu.dma_semaphore, #tpu.memory_space<semaphore_mem>>) src(%dma_wait3A_386 : memref<1000x128xf32, #tpu.memory_space<vmem_shared>>) dst(%dma_wait3A_381 : memref<32x128xf32, #tpu.memory_space<vmem>>)
    %add3A_387 = arith.constant 384 : i32
    %add3A_388 = arith.addi %mul3A_2, %add3A_387 : i32
    %dma_start3A_389 = arith.constant 384 : i32
    %dma_start3A_390 = arith.constant 0 : i32
    %dma_start3A_391 = tpu.memref_slice %arg7[%dma_start3A_389, %dma_start3A_390] : memref<512x128xf32, #tpu.memory_space<vmem>> -> memref<32x128xf32, #tpu.memory_space<vmem>>
    %dma_start3A_392 = arith.constant 0 : i32
    %dma_start3A_393 = tpu.memref_slice %arg4[%add3A_388, %dma_start3A_392] : memref<16384x128xf32, #tpu.memory_space<hbm>> -> memref<32x128xf32, #tpu.memory_space<hbm>>
    %dma_start3A_394 = arith.constant 0 : i32
    %dma_start3A_395 = tpu.memref_slice %arg4[%add3A_388, %dma_start3A_394] : memref<16384x128xf32, #tpu.memory_space<hbm>> -> memref<32x128xf32, #tpu.memory_space<hbm>>
    %dma_start3A_396 = arith.constant 384 : i32
    %dma_start3A_397 = arith.constant 0 : i32
    %dma_start3A_398 = tpu.memref_slice %arg7[%dma_start3A_396, %dma_start3A_397] : memref<512x128xf32, #tpu.memory_space<vmem>> -> memref<32x128xf32, #tpu.memory_space<vmem>>
    tpu.enqueue_dma source(%dma_start3A_398 : memref<32x128xf32, #tpu.memory_space<vmem>>) target(%dma_start3A_395 : memref<32x128xf32, #tpu.memory_space<hbm>>) target_semaphore(%arg24 : memref<!tpu.dma_semaphore, #tpu.memory_space<semaphore_mem>>)
    %dma_wait3A_399 = arith.constant 416 : i32
    %dma_wait3A_400 = arith.constant 0 : i32
    %dma_wait3A_401 = tpu.memref_slice %arg7[%dma_wait3A_399, %dma_wait3A_400] : memref<512x128xf32, #tpu.memory_space<vmem>> -> memref<32x128xf32, #tpu.memory_space<vmem>>
    %dma_wait3A_402 = arith.constant 416 : i32
    %dma_wait3A_403 = tpu.memref_slice %arg6[%dma_wait3A_402] : memref<512xi32, #tpu.memory_space<vmem>> -> memref<32xi32, #tpu.memory_space<vmem>>
    %dma_wait3A_404 = arith.constant 0 : i32
    %dma_wait3A_405 = arith.constant 0 : i32
    %dma_wait3A_406 = tpu.memref_slice %arg5[%dma_wait3A_404, %dma_wait3A_405] : memref<1000x128xf32, #tpu.memory_space<vmem_shared>> -> memref<1000x128xf32, #tpu.memory_space<vmem_shared>>
    tpu.wait_indirect_dma semaphore(%arg21 : memref<!tpu.dma_semaphore, #tpu.memory_space<semaphore_mem>>) src(%dma_wait3A_406 : memref<1000x128xf32, #tpu.memory_space<vmem_shared>>) dst(%dma_wait3A_401 : memref<32x128xf32, #tpu.memory_space<vmem>>)
    %add3A_407 = arith.constant 416 : i32
    %add3A_408 = arith.addi %mul3A_2, %add3A_407 : i32
    %dma_start3A_409 = arith.constant 416 : i32
    %dma_start3A_410 = arith.constant 0 : i32
    %dma_start3A_411 = tpu.memref_slice %arg7[%dma_start3A_409, %dma_start3A_410] : memref<512x128xf32, #tpu.memory_space<vmem>> -> memref<32x128xf32, #tpu.memory_space<vmem>>
    %dma_start3A_412 = arith.constant 0 : i32
    %dma_start3A_413 = tpu.memref_slice %arg4[%add3A_408, %dma_start3A_412] : memref<16384x128xf32, #tpu.memory_space<hbm>> -> memref<32x128xf32, #tpu.memory_space<hbm>>
    %dma_start3A_414 = arith.constant 0 : i32
    %dma_start3A_415 = tpu.memref_slice %arg4[%add3A_408, %dma_start3A_414] : memref<16384x128xf32, #tpu.memory_space<hbm>> -> memref<32x128xf32, #tpu.memory_space<hbm>>
    %dma_start3A_416 = arith.constant 416 : i32
    %dma_start3A_417 = arith.constant 0 : i32
    %dma_start3A_418 = tpu.memref_slice %arg7[%dma_start3A_416, %dma_start3A_417] : memref<512x128xf32, #tpu.memory_space<vmem>> -> memref<32x128xf32, #tpu.memory_space<vmem>>
    tpu.enqueue_dma source(%dma_start3A_418 : memref<32x128xf32, #tpu.memory_space<vmem>>) target(%dma_start3A_415 : memref<32x128xf32, #tpu.memory_space<hbm>>) target_semaphore(%arg24 : memref<!tpu.dma_semaphore, #tpu.memory_space<semaphore_mem>>)
    %dma_wait3A_419 = arith.constant 448 : i32
    %dma_wait3A_420 = arith.constant 0 : i32
    %dma_wait3A_421 = tpu.memref_slice %arg7[%dma_wait3A_419, %dma_wait3A_420] : memref<512x128xf32, #tpu.memory_space<vmem>> -> memref<32x128xf32, #tpu.memory_space<vmem>>
    %dma_wait3A_422 = arith.constant 448 : i32
    %dma_wait3A_423 = tpu.memref_slice %arg6[%dma_wait3A_422] : memref<512xi32, #tpu.memory_space<vmem>> -> memref<32xi32, #tpu.memory_space<vmem>>
    %dma_wait3A_424 = arith.constant 0 : i32
    %dma_wait3A_425 = arith.constant 0 : i32
    %dma_wait3A_426 = tpu.memref_slice %arg5[%dma_wait3A_424, %dma_wait3A_425] : memref<1000x128xf32, #tpu.memory_space<vmem_shared>> -> memref<1000x128xf32, #tpu.memory_space<vmem_shared>>
    tpu.wait_indirect_dma semaphore(%arg22 : memref<!tpu.dma_semaphore, #tpu.memory_space<semaphore_mem>>) src(%dma_wait3A_426 : memref<1000x128xf32, #tpu.memory_space<vmem_shared>>) dst(%dma_wait3A_421 : memref<32x128xf32, #tpu.memory_space<vmem>>)
    %add3A_427 = arith.constant 448 : i32
    %add3A_428 = arith.addi %mul3A_2, %add3A_427 : i32
    %dma_start3A_429 = arith.constant 448 : i32
    %dma_start3A_430 = arith.constant 0 : i32
    %dma_start3A_431 = tpu.memref_slice %arg7[%dma_start3A_429, %dma_start3A_430] : memref<512x128xf32, #tpu.memory_space<vmem>> -> memref<32x128xf32, #tpu.memory_space<vmem>>
    %dma_start3A_432 = arith.constant 0 : i32
    %dma_start3A_433 = tpu.memref_slice %arg4[%add3A_428, %dma_start3A_432] : memref<16384x128xf32, #tpu.memory_space<hbm>> -> memref<32x128xf32, #tpu.memory_space<hbm>>
    %dma_start3A_434 = arith.constant 0 : i32
    %dma_start3A_435 = tpu.memref_slice %arg4[%add3A_428, %dma_start3A_434] : memref<16384x128xf32, #tpu.memory_space<hbm>> -> memref<32x128xf32, #tpu.memory_space<hbm>>
    %dma_start3A_436 = arith.constant 448 : i32
    %dma_start3A_437 = arith.constant 0 : i32
    %dma_start3A_438 = tpu.memref_slice %arg7[%dma_start3A_436, %dma_start3A_437] : memref<512x128xf32, #tpu.memory_space<vmem>> -> memref<32x128xf32, #tpu.memory_space<vmem>>
    tpu.enqueue_dma source(%dma_start3A_438 : memref<32x128xf32, #tpu.memory_space<vmem>>) target(%dma_start3A_435 : memref<32x128xf32, #tpu.memory_space<hbm>>) target_semaphore(%arg24 : memref<!tpu.dma_semaphore, #tpu.memory_space<semaphore_mem>>)
    %dma_wait3A_439 = arith.constant 480 : i32
    %dma_wait3A_440 = arith.constant 0 : i32
    %dma_wait3A_441 = tpu.memref_slice %arg7[%dma_wait3A_439, %dma_wait3A_440] : memref<512x128xf32, #tpu.memory_space<vmem>> -> memref<32x128xf32, #tpu.memory_space<vmem>>
    %dma_wait3A_442 = arith.constant 480 : i32
    %dma_wait3A_443 = tpu.memref_slice %arg6[%dma_wait3A_442] : memref<512xi32, #tpu.memory_space<vmem>> -> memref<32xi32, #tpu.memory_space<vmem>>
    %dma_wait3A_444 = arith.constant 0 : i32
    %dma_wait3A_445 = arith.constant 0 : i32
    %dma_wait3A_446 = tpu.memref_slice %arg5[%dma_wait3A_444, %dma_wait3A_445] : memref<1000x128xf32, #tpu.memory_space<vmem_shared>> -> memref<1000x128xf32, #tpu.memory_space<vmem_shared>>
    tpu.wait_indirect_dma semaphore(%arg23 : memref<!tpu.dma_semaphore, #tpu.memory_space<semaphore_mem>>) src(%dma_wait3A_446 : memref<1000x128xf32, #tpu.memory_space<vmem_shared>>) dst(%dma_wait3A_441 : memref<32x128xf32, #tpu.memory_space<vmem>>)
    %add3A_447 = arith.constant 480 : i32
    %add3A_448 = arith.addi %mul3A_2, %add3A_447 : i32
    %dma_start3A_449 = arith.constant 480 : i32
    %dma_start3A_450 = arith.constant 0 : i32
    %dma_start3A_451 = tpu.memref_slice %arg7[%dma_start3A_449, %dma_start3A_450] : memref<512x128xf32, #tpu.memory_space<vmem>> -> memref<32x128xf32, #tpu.memory_space<vmem>>
    %dma_start3A_452 = arith.constant 0 : i32
    %dma_start3A_453 = tpu.memref_slice %arg4[%add3A_448, %dma_start3A_452] : memref<16384x128xf32, #tpu.memory_space<hbm>> -> memref<32x128xf32, #tpu.memory_space<hbm>>
    %dma_start3A_454 = arith.constant 0 : i32
    %dma_start3A_455 = tpu.memref_slice %arg4[%add3A_448, %dma_start3A_454] : memref<16384x128xf32, #tpu.memory_space<hbm>> -> memref<32x128xf32, #tpu.memory_space<hbm>>
    %dma_start3A_456 = arith.constant 480 : i32
    %dma_start3A_457 = arith.constant 0 : i32
    %dma_start3A_458 = tpu.memref_slice %arg7[%dma_start3A_456, %dma_start3A_457] : memref<512x128xf32, #tpu.memory_space<vmem>> -> memref<32x128xf32, #tpu.memory_space<vmem>>
    tpu.enqueue_dma source(%dma_start3A_458 : memref<32x128xf32, #tpu.memory_space<vmem>>) target(%dma_start3A_455 : memref<32x128xf32, #tpu.memory_space<hbm>>) target_semaphore(%arg24 : memref<!tpu.dma_semaphore, #tpu.memory_space<semaphore_mem>>)
    %dma_wait3A_459 = arith.constant 0 : i32
    %dma_wait3A_460 = arith.constant 0 : i32
    %dma_wait3A_461 = tpu.memref_slice %arg7[%dma_wait3A_459, %dma_wait3A_460] : memref<512x128xf32, #tpu.memory_space<vmem>> -> memref<32x128xf32, #tpu.memory_space<vmem>>
    %dma_wait3A_462 = arith.constant 0 : i32
    %dma_wait3A_463 = tpu.memref_slice %arg4[%add3A_148, %dma_wait3A_462] : memref<16384x128xf32, #tpu.memory_space<hbm>> -> memref<32x128xf32, #tpu.memory_space<hbm>>
    %dma_wait3A_464 = arith.constant 0 : i32
    %dma_wait3A_465 = tpu.memref_slice %arg4[%add3A_148, %dma_wait3A_464] : memref<16384x128xf32, #tpu.memory_space<hbm>> -> memref<32x128xf32, #tpu.memory_space<hbm>>
    %dma_wait3A_466 = arith.constant 0 : i32
    %dma_wait3A_467 = arith.constant 0 : i32
    %dma_wait3A_468 = tpu.memref_slice %arg7[%dma_wait3A_466, %dma_wait3A_467] : memref<512x128xf32, #tpu.memory_space<vmem>> -> memref<32x128xf32, #tpu.memory_space<vmem>>
    tpu.wait_dma2 semaphore(%arg24 : memref<!tpu.dma_semaphore, #tpu.memory_space<semaphore_mem>>) src(%dma_wait3A_468 : memref<32x128xf32, #tpu.memory_space<vmem>>) dst(%dma_wait3A_465 : memref<32x128xf32, #tpu.memory_space<hbm>>)
    %dma_wait3A_469 = arith.constant 32 : i32
    %dma_wait3A_470 = arith.constant 0 : i32
    %dma_wait3A_471 = tpu.memref_slice %arg7[%dma_wait3A_469, %dma_wait3A_470] : memref<512x128xf32, #tpu.memory_space<vmem>> -> memref<32x128xf32, #tpu.memory_space<vmem>>
    %dma_wait3A_472 = arith.constant 0 : i32
    %dma_wait3A_473 = tpu.memref_slice %arg4[%add3A_168, %dma_wait3A_472] : memref<16384x128xf32, #tpu.memory_space<hbm>> -> memref<32x128xf32, #tpu.memory_space<hbm>>
    %dma_wait3A_474 = arith.constant 0 : i32
    %dma_wait3A_475 = tpu.memref_slice %arg4[%add3A_168, %dma_wait3A_474] : memref<16384x128xf32, #tpu.memory_space<hbm>> -> memref<32x128xf32, #tpu.memory_space<hbm>>
    %dma_wait3A_476 = arith.constant 32 : i32
    %dma_wait3A_477 = arith.constant 0 : i32
    %dma_wait3A_478 = tpu.memref_slice %arg7[%dma_wait3A_476, %dma_wait3A_477] : memref<512x128xf32, #tpu.memory_space<vmem>> -> memref<32x128xf32, #tpu.memory_space<vmem>>
    tpu.wait_dma2 semaphore(%arg24 : memref<!tpu.dma_semaphore, #tpu.memory_space<semaphore_mem>>) src(%dma_wait3A_478 : memref<32x128xf32, #tpu.memory_space<vmem>>) dst(%dma_wait3A_475 : memref<32x128xf32, #tpu.memory_space<hbm>>)
    %dma_wait3A_479 = arith.constant 64 : i32
    %dma_wait3A_480 = arith.constant 0 : i32
    %dma_wait3A_481 = tpu.memref_slice %arg7[%dma_wait3A_479, %dma_wait3A_480] : memref<512x128xf32, #tpu.memory_space<vmem>> -> memref<32x128xf32, #tpu.memory_space<vmem>>
    %dma_wait3A_482 = arith.constant 0 : i32
    %dma_wait3A_483 = tpu.memref_slice %arg4[%add3A_188, %dma_wait3A_482] : memref<16384x128xf32, #tpu.memory_space<hbm>> -> memref<32x128xf32, #tpu.memory_space<hbm>>
    %dma_wait3A_484 = arith.constant 0 : i32
    %dma_wait3A_485 = tpu.memref_slice %arg4[%add3A_188, %dma_wait3A_484] : memref<16384x128xf32, #tpu.memory_space<hbm>> -> memref<32x128xf32, #tpu.memory_space<hbm>>
    %dma_wait3A_486 = arith.constant 64 : i32
    %dma_wait3A_487 = arith.constant 0 : i32
    %dma_wait3A_488 = tpu.memref_slice %arg7[%dma_wait3A_486, %dma_wait3A_487] : memref<512x128xf32, #tpu.memory_space<vmem>> -> memref<32x128xf32, #tpu.memory_space<vmem>>
    tpu.wait_dma2 semaphore(%arg24 : memref<!tpu.dma_semaphore, #tpu.memory_space<semaphore_mem>>) src(%dma_wait3A_488 : memref<32x128xf32, #tpu.memory_space<vmem>>) dst(%dma_wait3A_485 : memref<32x128xf32, #tpu.memory_space<hbm>>)
    %dma_wait3A_489 = arith.constant 96 : i32
    %dma_wait3A_490 = arith.constant 0 : i32
    %dma_wait3A_491 = tpu.memref_slice %arg7[%dma_wait3A_489, %dma_wait3A_490] : memref<512x128xf32, #tpu.memory_space<vmem>> -> memref<32x128xf32, #tpu.memory_space<vmem>>
    %dma_wait3A_492 = arith.constant 0 : i32
    %dma_wait3A_493 = tpu.memref_slice %arg4[%add3A_208, %dma_wait3A_492] : memref<16384x128xf32, #tpu.memory_space<hbm>> -> memref<32x128xf32, #tpu.memory_space<hbm>>
    %dma_wait3A_494 = arith.constant 0 : i32
    %dma_wait3A_495 = tpu.memref_slice %arg4[%add3A_208, %dma_wait3A_494] : memref<16384x128xf32, #tpu.memory_space<hbm>> -> memref<32x128xf32, #tpu.memory_space<hbm>>
    %dma_wait3A_496 = arith.constant 96 : i32
    %dma_wait3A_497 = arith.constant 0 : i32
    %dma_wait3A_498 = tpu.memref_slice %arg7[%dma_wait3A_496, %dma_wait3A_497] : memref<512x128xf32, #tpu.memory_space<vmem>> -> memref<32x128xf32, #tpu.memory_space<vmem>>
    tpu.wait_dma2 semaphore(%arg24 : memref<!tpu.dma_semaphore, #tpu.memory_space<semaphore_mem>>) src(%dma_wait3A_498 : memref<32x128xf32, #tpu.memory_space<vmem>>) dst(%dma_wait3A_495 : memref<32x128xf32, #tpu.memory_space<hbm>>)
    %dma_wait3A_499 = arith.constant 128 : i32
    %dma_wait3A_500 = arith.constant 0 : i32
    %dma_wait3A_501 = tpu.memref_slice %arg7[%dma_wait3A_499, %dma_wait3A_500] : memref<512x128xf32, #tpu.memory_space<vmem>> -> memref<32x128xf32, #tpu.memory_space<vmem>>
    %dma_wait3A_502 = arith.constant 0 : i32
    %dma_wait3A_503 = tpu.memref_slice %arg4[%add3A_228, %dma_wait3A_502] : memref<16384x128xf32, #tpu.memory_space<hbm>> -> memref<32x128xf32, #tpu.memory_space<hbm>>
    %dma_wait3A_504 = arith.constant 0 : i32
    %dma_wait3A_505 = tpu.memref_slice %arg4[%add3A_228, %dma_wait3A_504] : memref<16384x128xf32, #tpu.memory_space<hbm>> -> memref<32x128xf32, #tpu.memory_space<hbm>>
    %dma_wait3A_506 = arith.constant 128 : i32
    %dma_wait3A_507 = arith.constant 0 : i32
    %dma_wait3A_508 = tpu.memref_slice %arg7[%dma_wait3A_506, %dma_wait3A_507] : memref<512x128xf32, #tpu.memory_space<vmem>> -> memref<32x128xf32, #tpu.memory_space<vmem>>
    tpu.wait_dma2 semaphore(%arg24 : memref<!tpu.dma_semaphore, #tpu.memory_space<semaphore_mem>>) src(%dma_wait3A_508 : memref<32x128xf32, #tpu.memory_space<vmem>>) dst(%dma_wait3A_505 : memref<32x128xf32, #tpu.memory_space<hbm>>)
    %dma_wait3A_509 = arith.constant 160 : i32
    %dma_wait3A_510 = arith.constant 0 : i32
    %dma_wait3A_511 = tpu.memref_slice %arg7[%dma_wait3A_509, %dma_wait3A_510] : memref<512x128xf32, #tpu.memory_space<vmem>> -> memref<32x128xf32, #tpu.memory_space<vmem>>
    %dma_wait3A_512 = arith.constant 0 : i32
    %dma_wait3A_513 = tpu.memref_slice %arg4[%add3A_248, %dma_wait3A_512] : memref<16384x128xf32, #tpu.memory_space<hbm>> -> memref<32x128xf32, #tpu.memory_space<hbm>>
    %dma_wait3A_514 = arith.constant 0 : i32
    %dma_wait3A_515 = tpu.memref_slice %arg4[%add3A_248, %dma_wait3A_514] : memref<16384x128xf32, #tpu.memory_space<hbm>> -> memref<32x128xf32, #tpu.memory_space<hbm>>
    %dma_wait3A_516 = arith.constant 160 : i32
    %dma_wait3A_517 = arith.constant 0 : i32
    %dma_wait3A_518 = tpu.memref_slice %arg7[%dma_wait3A_516, %dma_wait3A_517] : memref<512x128xf32, #tpu.memory_space<vmem>> -> memref<32x128xf32, #tpu.memory_space<vmem>>
    tpu.wait_dma2 semaphore(%arg24 : memref<!tpu.dma_semaphore, #tpu.memory_space<semaphore_mem>>) src(%dma_wait3A_518 : memref<32x128xf32, #tpu.memory_space<vmem>>) dst(%dma_wait3A_515 : memref<32x128xf32, #tpu.memory_space<hbm>>)
    %dma_wait3A_519 = arith.constant 192 : i32
    %dma_wait3A_520 = arith.constant 0 : i32
    %dma_wait3A_521 = tpu.memref_slice %arg7[%dma_wait3A_519, %dma_wait3A_520] : memref<512x128xf32, #tpu.memory_space<vmem>> -> memref<32x128xf32, #tpu.memory_space<vmem>>
    %dma_wait3A_522 = arith.constant 0 : i32
    %dma_wait3A_523 = tpu.memref_slice %arg4[%add3A_268, %dma_wait3A_522] : memref<16384x128xf32, #tpu.memory_space<hbm>> -> memref<32x128xf32, #tpu.memory_space<hbm>>
    %dma_wait3A_524 = arith.constant 0 : i32
    %dma_wait3A_525 = tpu.memref_slice %arg4[%add3A_268, %dma_wait3A_524] : memref<16384x128xf32, #tpu.memory_space<hbm>> -> memref<32x128xf32, #tpu.memory_space<hbm>>
    %dma_wait3A_526 = arith.constant 192 : i32
    %dma_wait3A_527 = arith.constant 0 : i32
    %dma_wait3A_528 = tpu.memref_slice %arg7[%dma_wait3A_526, %dma_wait3A_527] : memref<512x128xf32, #tpu.memory_space<vmem>> -> memref<32x128xf32, #tpu.memory_space<vmem>>
    tpu.wait_dma2 semaphore(%arg24 : memref<!tpu.dma_semaphore, #tpu.memory_space<semaphore_mem>>) src(%dma_wait3A_528 : memref<32x128xf32, #tpu.memory_space<vmem>>) dst(%dma_wait3A_525 : memref<32x128xf32, #tpu.memory_space<hbm>>)
    %dma_wait3A_529 = arith.constant 224 : i32
    %dma_wait3A_530 = arith.constant 0 : i32
    %dma_wait3A_531 = tpu.memref_slice %arg7[%dma_wait3A_529, %dma_wait3A_530] : memref<512x128xf32, #tpu.memory_space<vmem>> -> memref<32x128xf32, #tpu.memory_space<vmem>>
    %dma_wait3A_532 = arith.constant 0 : i32
    %dma_wait3A_533 = tpu.memref_slice %arg4[%add3A_288, %dma_wait3A_532] : memref<16384x128xf32, #tpu.memory_space<hbm>> -> memref<32x128xf32, #tpu.memory_space<hbm>>
    %dma_wait3A_534 = arith.constant 0 : i32
    %dma_wait3A_535 = tpu.memref_slice %arg4[%add3A_288, %dma_wait3A_534] : memref<16384x128xf32, #tpu.memory_space<hbm>> -> memref<32x128xf32, #tpu.memory_space<hbm>>
    %dma_wait3A_536 = arith.constant 224 : i32
    %dma_wait3A_537 = arith.constant 0 : i32
    %dma_wait3A_538 = tpu.memref_slice %arg7[%dma_wait3A_536, %dma_wait3A_537] : memref<512x128xf32, #tpu.memory_space<vmem>> -> memref<32x128xf32, #tpu.memory_space<vmem>>
    tpu.wait_dma2 semaphore(%arg24 : memref<!tpu.dma_semaphore, #tpu.memory_space<semaphore_mem>>) src(%dma_wait3A_538 : memref<32x128xf32, #tpu.memory_space<vmem>>) dst(%dma_wait3A_535 : memref<32x128xf32, #tpu.memory_space<hbm>>)
    %dma_wait3A_539 = arith.constant 256 : i32
    %dma_wait3A_540 = arith.constant 0 : i32
    %dma_wait3A_541 = tpu.memref_slice %arg7[%dma_wait3A_539, %dma_wait3A_540] : memref<512x128xf32, #tpu.memory_space<vmem>> -> memref<32x128xf32, #tpu.memory_space<vmem>>
    %dma_wait3A_542 = arith.constant 0 : i32
    %dma_wait3A_543 = tpu.memref_slice %arg4[%add3A_308, %dma_wait3A_542] : memref<16384x128xf32, #tpu.memory_space<hbm>> -> memref<32x128xf32, #tpu.memory_space<hbm>>
    %dma_wait3A_544 = arith.constant 0 : i32
    %dma_wait3A_545 = tpu.memref_slice %arg4[%add3A_308, %dma_wait3A_544] : memref<16384x128xf32, #tpu.memory_space<hbm>> -> memref<32x128xf32, #tpu.memory_space<hbm>>
    %dma_wait3A_546 = arith.constant 256 : i32
    %dma_wait3A_547 = arith.constant 0 : i32
    %dma_wait3A_548 = tpu.memref_slice %arg7[%dma_wait3A_546, %dma_wait3A_547] : memref<512x128xf32, #tpu.memory_space<vmem>> -> memref<32x128xf32, #tpu.memory_space<vmem>>
    tpu.wait_dma2 semaphore(%arg24 : memref<!tpu.dma_semaphore, #tpu.memory_space<semaphore_mem>>) src(%dma_wait3A_548 : memref<32x128xf32, #tpu.memory_space<vmem>>) dst(%dma_wait3A_545 : memref<32x128xf32, #tpu.memory_space<hbm>>)
    %dma_wait3A_549 = arith.constant 288 : i32
    %dma_wait3A_550 = arith.constant 0 : i32
    %dma_wait3A_551 = tpu.memref_slice %arg7[%dma_wait3A_549, %dma_wait3A_550] : memref<512x128xf32, #tpu.memory_space<vmem>> -> memref<32x128xf32, #tpu.memory_space<vmem>>
    %dma_wait3A_552 = arith.constant 0 : i32
    %dma_wait3A_553 = tpu.memref_slice %arg4[%add3A_328, %dma_wait3A_552] : memref<16384x128xf32, #tpu.memory_space<hbm>> -> memref<32x128xf32, #tpu.memory_space<hbm>>
    %dma_wait3A_554 = arith.constant 0 : i32
    %dma_wait3A_555 = tpu.memref_slice %arg4[%add3A_328, %dma_wait3A_554] : memref<16384x128xf32, #tpu.memory_space<hbm>> -> memref<32x128xf32, #tpu.memory_space<hbm>>
    %dma_wait3A_556 = arith.constant 288 : i32
    %dma_wait3A_557 = arith.constant 0 : i32
    %dma_wait3A_558 = tpu.memref_slice %arg7[%dma_wait3A_556, %dma_wait3A_557] : memref<512x128xf32, #tpu.memory_space<vmem>> -> memref<32x128xf32, #tpu.memory_space<vmem>>
    tpu.wait_dma2 semaphore(%arg24 : memref<!tpu.dma_semaphore, #tpu.memory_space<semaphore_mem>>) src(%dma_wait3A_558 : memref<32x128xf32, #tpu.memory_space<vmem>>) dst(%dma_wait3A_555 : memref<32x128xf32, #tpu.memory_space<hbm>>)
    %dma_wait3A_559 = arith.constant 320 : i32
    %dma_wait3A_560 = arith.constant 0 : i32
    %dma_wait3A_561 = tpu.memref_slice %arg7[%dma_wait3A_559, %dma_wait3A_560] : memref<512x128xf32, #tpu.memory_space<vmem>> -> memref<32x128xf32, #tpu.memory_space<vmem>>
    %dma_wait3A_562 = arith.constant 0 : i32
    %dma_wait3A_563 = tpu.memref_slice %arg4[%add3A_348, %dma_wait3A_562] : memref<16384x128xf32, #tpu.memory_space<hbm>> -> memref<32x128xf32, #tpu.memory_space<hbm>>
    %dma_wait3A_564 = arith.constant 0 : i32
    %dma_wait3A_565 = tpu.memref_slice %arg4[%add3A_348, %dma_wait3A_564] : memref<16384x128xf32, #tpu.memory_space<hbm>> -> memref<32x128xf32, #tpu.memory_space<hbm>>
    %dma_wait3A_566 = arith.constant 320 : i32
    %dma_wait3A_567 = arith.constant 0 : i32
    %dma_wait3A_568 = tpu.memref_slice %arg7[%dma_wait3A_566, %dma_wait3A_567] : memref<512x128xf32, #tpu.memory_space<vmem>> -> memref<32x128xf32, #tpu.memory_space<vmem>>
    tpu.wait_dma2 semaphore(%arg24 : memref<!tpu.dma_semaphore, #tpu.memory_space<semaphore_mem>>) src(%dma_wait3A_568 : memref<32x128xf32, #tpu.memory_space<vmem>>) dst(%dma_wait3A_565 : memref<32x128xf32, #tpu.memory_space<hbm>>)
    %dma_wait3A_569 = arith.constant 352 : i32
    %dma_wait3A_570 = arith.constant 0 : i32
    %dma_wait3A_571 = tpu.memref_slice %arg7[%dma_wait3A_569, %dma_wait3A_570] : memref<512x128xf32, #tpu.memory_space<vmem>> -> memref<32x128xf32, #tpu.memory_space<vmem>>
    %dma_wait3A_572 = arith.constant 0 : i32
    %dma_wait3A_573 = tpu.memref_slice %arg4[%add3A_368, %dma_wait3A_572] : memref<16384x128xf32, #tpu.memory_space<hbm>> -> memref<32x128xf32, #tpu.memory_space<hbm>>
    %dma_wait3A_574 = arith.constant 0 : i32
    %dma_wait3A_575 = tpu.memref_slice %arg4[%add3A_368, %dma_wait3A_574] : memref<16384x128xf32, #tpu.memory_space<hbm>> -> memref<32x128xf32, #tpu.memory_space<hbm>>
    %dma_wait3A_576 = arith.constant 352 : i32
    %dma_wait3A_577 = arith.constant 0 : i32
    %dma_wait3A_578 = tpu.memref_slice %arg7[%dma_wait3A_576, %dma_wait3A_577] : memref<512x128xf32, #tpu.memory_space<vmem>> -> memref<32x128xf32, #tpu.memory_space<vmem>>
    tpu.wait_dma2 semaphore(%arg24 : memref<!tpu.dma_semaphore, #tpu.memory_space<semaphore_mem>>) src(%dma_wait3A_578 : memref<32x128xf32, #tpu.memory_space<vmem>>) dst(%dma_wait3A_575 : memref<32x128xf32, #tpu.memory_space<hbm>>)
    %dma_wait3A_579 = arith.constant 384 : i32
    %dma_wait3A_580 = arith.constant 0 : i32
    %dma_wait3A_581 = tpu.memref_slice %arg7[%dma_wait3A_579, %dma_wait3A_580] : memref<512x128xf32, #tpu.memory_space<vmem>> -> memref<32x128xf32, #tpu.memory_space<vmem>>
    %dma_wait3A_582 = arith.constant 0 : i32
    %dma_wait3A_583 = tpu.memref_slice %arg4[%add3A_388, %dma_wait3A_582] : memref<16384x128xf32, #tpu.memory_space<hbm>> -> memref<32x128xf32, #tpu.memory_space<hbm>>
    %dma_wait3A_584 = arith.constant 0 : i32
    %dma_wait3A_585 = tpu.memref_slice %arg4[%add3A_388, %dma_wait3A_584] : memref<16384x128xf32, #tpu.memory_space<hbm>> -> memref<32x128xf32, #tpu.memory_space<hbm>>
    %dma_wait3A_586 = arith.constant 384 : i32
    %dma_wait3A_587 = arith.constant 0 : i32
    %dma_wait3A_588 = tpu.memref_slice %arg7[%dma_wait3A_586, %dma_wait3A_587] : memref<512x128xf32, #tpu.memory_space<vmem>> -> memref<32x128xf32, #tpu.memory_space<vmem>>
    tpu.wait_dma2 semaphore(%arg24 : memref<!tpu.dma_semaphore, #tpu.memory_space<semaphore_mem>>) src(%dma_wait3A_588 : memref<32x128xf32, #tpu.memory_space<vmem>>) dst(%dma_wait3A_585 : memref<32x128xf32, #tpu.memory_space<hbm>>)
    %dma_wait3A_589 = arith.constant 416 : i32
    %dma_wait3A_590 = arith.constant 0 : i32
    %dma_wait3A_591 = tpu.memref_slice %arg7[%dma_wait3A_589, %dma_wait3A_590] : memref<512x128xf32, #tpu.memory_space<vmem>> -> memref<32x128xf32, #tpu.memory_space<vmem>>
    %dma_wait3A_592 = arith.constant 0 : i32
    %dma_wait3A_593 = tpu.memref_slice %arg4[%add3A_408, %dma_wait3A_592] : memref<16384x128xf32, #tpu.memory_space<hbm>> -> memref<32x128xf32, #tpu.memory_space<hbm>>
    %dma_wait3A_594 = arith.constant 0 : i32
    %dma_wait3A_595 = tpu.memref_slice %arg4[%add3A_408, %dma_wait3A_594] : memref<16384x128xf32, #tpu.memory_space<hbm>> -> memref<32x128xf32, #tpu.memory_space<hbm>>
    %dma_wait3A_596 = arith.constant 416 : i32
    %dma_wait3A_597 = arith.constant 0 : i32
    %dma_wait3A_598 = tpu.memref_slice %arg7[%dma_wait3A_596, %dma_wait3A_597] : memref<512x128xf32, #tpu.memory_space<vmem>> -> memref<32x128xf32, #tpu.memory_space<vmem>>
    tpu.wait_dma2 semaphore(%arg24 : memref<!tpu.dma_semaphore, #tpu.memory_space<semaphore_mem>>) src(%dma_wait3A_598 : memref<32x128xf32, #tpu.memory_space<vmem>>) dst(%dma_wait3A_595 : memref<32x128xf32, #tpu.memory_space<hbm>>)
    %dma_wait3A_599 = arith.constant 448 : i32
    %dma_wait3A_600 = arith.constant 0 : i32
    %dma_wait3A_601 = tpu.memref_slice %arg7[%dma_wait3A_599, %dma_wait3A_600] : memref<512x128xf32, #tpu.memory_space<vmem>> -> memref<32x128xf32, #tpu.memory_space<vmem>>
    %dma_wait3A_602 = arith.constant 0 : i32
    %dma_wait3A_603 = tpu.memref_slice %arg4[%add3A_428, %dma_wait3A_602] : memref<16384x128xf32, #tpu.memory_space<hbm>> -> memref<32x128xf32, #tpu.memory_space<hbm>>
    %dma_wait3A_604 = arith.constant 0 : i32
    %dma_wait3A_605 = tpu.memref_slice %arg4[%add3A_428, %dma_wait3A_604] : memref<16384x128xf32, #tpu.memory_space<hbm>> -> memref<32x128xf32, #tpu.memory_space<hbm>>
    %dma_wait3A_606 = arith.constant 448 : i32
    %dma_wait3A_607 = arith.constant 0 : i32
    %dma_wait3A_608 = tpu.memref_slice %arg7[%dma_wait3A_606, %dma_wait3A_607] : memref<512x128xf32, #tpu.memory_space<vmem>> -> memref<32x128xf32, #tpu.memory_space<vmem>>
    tpu.wait_dma2 semaphore(%arg24 : memref<!tpu.dma_semaphore, #tpu.memory_space<semaphore_mem>>) src(%dma_wait3A_608 : memref<32x128xf32, #tpu.memory_space<vmem>>) dst(%dma_wait3A_605 : memref<32x128xf32, #tpu.memory_space<hbm>>)
    %dma_wait3A_609 = arith.constant 480 : i32
    %dma_wait3A_610 = arith.constant 0 : i32
    %dma_wait3A_611 = tpu.memref_slice %arg7[%dma_wait3A_609, %dma_wait3A_610] : memref<512x128xf32, #tpu.memory_space<vmem>> -> memref<32x128xf32, #tpu.memory_space<vmem>>
    %dma_wait3A_612 = arith.constant 0 : i32
    %dma_wait3A_613 = tpu.memref_slice %arg4[%add3A_448, %dma_wait3A_612] : memref<16384x128xf32, #tpu.memory_space<hbm>> -> memref<32x128xf32, #tpu.memory_space<hbm>>
    %dma_wait3A_614 = arith.constant 0 : i32
    %dma_wait3A_615 = tpu.memref_slice %arg4[%add3A_448, %dma_wait3A_614] : memref<16384x128xf32, #tpu.memory_space<hbm>> -> memref<32x128xf32, #tpu.memory_space<hbm>>
    %dma_wait3A_616 = arith.constant 480 : i32
    %dma_wait3A_617 = arith.constant 0 : i32
    %dma_wait3A_618 = tpu.memref_slice %arg7[%dma_wait3A_616, %dma_wait3A_617] : memref<512x128xf32, #tpu.memory_space<vmem>> -> memref<32x128xf32, #tpu.memory_space<vmem>>
    tpu.wait_dma2 semaphore(%arg24 : memref<!tpu.dma_semaphore, #tpu.memory_space<semaphore_mem>>) src(%dma_wait3A_618 : memref<32x128xf32, #tpu.memory_space<vmem>>) dst(%dma_wait3A_615 : memref<32x128xf32, #tpu.memory_space<hbm>>)
    return
  }
}

</mosaic_0001>

<sc_bundles>
// kernel: _pe_lookup.3.cloned.1.call-start
scs
__scs_entry_jumppad:
0x0: {  	(pc) =	sbr.rel $0x88, $3  }
0x1: {  	(tag) =	ssettag $0x0;
	lr =	simm.s32 $0x1  }
0x2: {  	[smem:$0x3F9F] =	sst lr;
	_ =	strace $0xD0000000  }
0x3: {  	_ = 	snop  }
0x4: {  	_ = 	snop  }
0x5: {  	_ = 	snop  }
0x6: {  	_ = 	snop  }
0x7: {  	_ = 	snop  }
__scs_overlays_trampoline_lowered:
0x8: {  	[smem:$0x3FAE] =	sst s0  }
0x9: {  	[smem:$0x3FAF] =	sst s1  }
0xa: {  	[smem:$0x3FB0] =	sst s2  }
0xb: {  	[smem:$0x3FB1] =	sst s3  }
0xc: {  	[smem:$0x3FB2] =	sst s4  }
0xd: {  	[smem:$0x3FB3] =	sst s5  }
0xe: {  	[smem:$0x3FB4] =	sst s6  }
0xf: {  	[smem:$0x3FB5] =	sst s7  }
0x10: {  	[smem:$0x3FB6] =	sst s8  }
0x11: {  	[smem:$0x3FB7] =	sst s9;
	s0 =	simm.s32 @!p0 $0x0  }
0x12: {  	s1 =	sld [smem:$0x3F9D];
	s0 =	simm.s32 @p0 $0x1  }
0x13: {  	[smem:$0x3FB8] =	sst s0;
	s0 =	simm.s32 @!p1 $0x0  }
0x14: {  	s2 =	sld [smem:$0x3F9C];
	s0 =	simm.s32 @p1 $0x1  }
0x15: {  	[smem:$0x3FB9] =	sst s0;
	s0 =	simm.s32 @!p2 $0x0  }
0x16: {  	s3 =	sld [smem:$0x3FDB];
	s0 =	simm.s32 @p2 $0x1  }
0x17: {  	s4 =	simm.s32 $0x1BF5;
	[smem:$0x3FBB] =	sst s0  }
0x18: {  	s0 =	sld [smem:$0x3F9E];
	_ =	swait.ge [sflag:s4], $0x0  }
0x19: {  	s7 =	sld [smem:$0x3F9F]  }
0x1a: {  	s8 =	sadd.s32 $0xFFFFE003, lr  }
0x1b: {  	s9 =	sadd.s32 $0xFFFFFEF7, lr;
	s5 =	simm.s32 $0xFFFFFFFF;
	p2 =	slt.u32 s8, $0xFFFFF086  }
0x1c: {  	p1 =	slt.u32 s9, $0xF7A;
	s5 =	simm.s32 @!p2 $0x0  }
0x1d: {  	s5 =	simm.s32 @p1 $0x1;
	p0 =	seq.s32 s7, s2  }
0x1e: {  	s7 =	smul.u32 @!p0 $0xF7A, s2;
	p2 =	seq.s32 @!p0 s5, $0x0  }
0x1f: {  	s9 =	smul.u32 $0xF7A, s1;
	s8 =	simm.s32 @!p0 $0x1BF5;
	p2 =	por !p2, p0  }
0x20: {  	[sflag:s8] =	ssyncset.s32 @!p0 $0xFFFFF086;
	s6 =	sadd.s32 @!p0 s3, s7;
	s7 =	simm.s32 @!p0 $0x108  }
0x21: {  	s3 =	sadd.s32 s3, s9;
	s6 =	sadd.s32 @!p0 $0x88, s6;
	s7 =	simm.s32 @p2 $0x1082  }
0x22: {  	[simem:s7], [sflag:s8] =	dma.local @!p0 [hbm:s6], $0xF7A  }
0x23: {  	s9 =	sor.u32 $0xD0000000, s2;
	s6 =	simm.s32 $0x108;
	_ =	swait.ge @!p0 [sflag:s8], $0x0  }
0x24: {  	s3 =	sadd.s32 $0x88, s3;
	s6 =	simm.s32 @!p1 $0x1082;
	[sflag:s4] =	ssyncset.s32 $0xFFFFF086  }
0x25: {  	[simem:s6], [sflag:s4] =	dma.local [hbm:s3], $0xF7A  }
0x26: {  	[smem:$0x3F9F] =	sst s1;
	(tag) =	ssettag s2;
	_ =	strace s9  }
0x27: {  	s1 =	sld [smem:$0x3FAF]  }
0x28: {  	s2 =	sld [smem:$0x3FB0]  }
0x29: {  	s4 =	sld [smem:$0x3FB2]  }
0x2a: {  	p0 =	seq.s32 s5, $0x0;
	s5 =	sld [smem:$0x3FB3]  }
0x2b: {  	s6 =	sld [smem:$0x3FB4]  }
0x2c: {  	s7 =	sld [smem:$0x3FB5]  }
0x2d: {  	s3 =	simm.s32 $0x108;
	s8 =	sld [smem:$0x3FB6]  }
0x2e: {  	s3 =	simm.s32 @!p0 $0x1082;
	s9 =	sld [smem:$0x3FB7]  }
0x2f: {  	lr =	sadd.s32 s0, s3;
	s0 =	sld [smem:$0x3FAE]  }
0x30: {  	s3 =	sld [smem:$0x3FB1]  }
0x31: {  	[smem:$0x3FBA] =	sst s10  }
0x32: {  	s10 =	sld [smem:$0x3FB8];
	_ =	sdelay $0x3  }
0x33: {  	p0 =	seq.s32 s10, $0x1;
	s10 =	sld [smem:$0x3FBA];
	_ =	sdelay $0x3  }
0x34: {  	[smem:$0x3FBA] =	sst s10  }
0x35: {  	s10 =	sld [smem:$0x3FB9];
	_ =	sdelay $0x3  }
0x36: {  	p1 =	seq.s32 s10, $0x1;
	s10 =	sld [smem:$0x3FBA];
	_ =	sdelay $0x3  }
0x37: {  	[smem:$0x3FBA] =	sst s10  }
0x38: {  	s10 =	sld [smem:$0x3FBB]  }
0x39: {  	_ = 	snop;
	(pc) =	sbr.ind lr, $3  }
0x3a: {  	_ = 	snop  }
0x3b: {  	_ = 	snop  }
0x3c: {  	p2 =	seq.s32 s10, $0x1;
	s10 =	sld [smem:$0x3FBA]  }
0x3d: {  	_ =	shalt  }
0x3e: {  	_ =	shalt  }
0x3f: {  	_ =	shalt  }
0x40: {  	_ =	shalt  }
0x41: {  	_ =	shalt  }
0x42: {  	_ =	shalt  }
0x43: {  	_ =	shalt  }
0x44: {  	_ =	shalt  }
0x45: {  	_ =	shalt  }
0x46: {  	_ =	shalt  }
0x47: {  	_ =	shalt  }
0x48: {  	_ =	shalt  }
0x49: {  	_ =	shalt  }
0x4a: {  	_ =	shalt  }
0x4b: {  	_ =	shalt  }
0x4c: {  	_ =	shalt  }
0x4d: {  	_ =	shalt  }
0x4e: {  	_ =	shalt  }
0x4f: {  	_ =	shalt  }
0x50: {  	_ =	shalt  }
0x51: {  	_ =	shalt  }
0x52: {  	_ =	shalt  }
0x53: {  	_ =	shalt  }
0x54: {  	_ =	shalt  }
0x55: {  	_ =	shalt  }
0x56: {  	_ =	shalt  }
0x57: {  	_ =	shalt  }
0x58: {  	_ =	shalt  }
0x59: {  	_ =	shalt  }
0x5a: {  	_ =	shalt  }
0x5b: {  	_ =	shalt  }
0x5c: {  	_ =	shalt  }
0x5d: {  	_ =	shalt  }
0x5e: {  	_ =	shalt  }
0x5f: {  	_ =	shalt  }
0x60: {  	_ =	shalt  }
0x61: {  	_ =	shalt  }
0x62: {  	_ =	shalt  }
0x63: {  	_ =	shalt  }
0x64: {  	_ =	shalt  }
0x65: {  	_ =	shalt  }
0x66: {  	_ =	shalt  }
0x67: {  	_ =	shalt  }
0x68: {  	_ =	shalt  }
0x69: {  	_ =	shalt  }
0x6a: {  	_ =	shalt  }
0x6b: {  	_ =	shalt  }
0x6c: {  	_ =	shalt  }
0x6d: {  	_ =	shalt  }
0x6e: {  	_ =	shalt  }
0x6f: {  	_ =	shalt  }
0x70: {  	_ =	shalt  }
0x71: {  	_ =	shalt  }
0x72: {  	_ =	shalt  }
0x73: {  	_ =	shalt  }
0x74: {  	_ =	shalt  }
0x75: {  	_ =	shalt  }
0x76: {  	_ =	shalt  }
0x77: {  	_ =	shalt  }
0x78: {  	_ =	shalt  }
0x79: {  	_ =	shalt  }
0x7a: {  	_ =	shalt  }
0x7b: {  	_ =	shalt  }
0x7c: {  	_ =	shalt  }
0x7d: {  	_ =	shalt  }
0x7e: {  	_ =	shalt  }
0x7f: {  	_ =	shalt  }
0x80: {  	_ =	shalt  }
0x81: {  	_ =	shalt  }
0x82: {  	_ =	shalt  }
0x83: {  	_ =	shalt  }
0x84: {  	_ =	shalt  }
0x85: {  	_ =	shalt  }
0x86: {  	_ =	shalt  }
0x87: {  	_ =	shalt  }
.Lfunc_end0:
.L_simem_size_0:
called_computation_lowered:
.L_overlay_start_0:
0x88: {  	s2 =	sld [smem:$0x3FD9]  }
0x89: {  	s3 =	sld [smem:$0x3FFE];
	_ =	sdelay $0x1  }
0x8a: {  	s1 =	srdreg.scid  }
0x8b: {  	s0 =	sand.u32 $0x1, s1  }
0x8c: {  	s18 =	sshll.u32 s0, $0xA;
	s2 =	sadd.s32 s3, s2  }
0x8d: {  	s2 =	sadd.s32 s2, s18  }
0x8e: {  	[smem:$0x3FC6] =	sst s2  }
0x8f: {  	_ = 	snop  }
0x90: {  	s2 =	sld [smem:$0x3FC9]  }
0x91: {  	s19 =	sld [smem:$0x3FC8]  }
0x92: {  	s4 =	sld [smem:$0x3FD0];
	(tm) =	ssettm $0x1  }
0x93: {  	s5 =	sld [smem:$0x3FFB];
	_ =	sdelay $0x3  }
0x94: {  	_ =	strace s5  }
0x95: {  	s5 =	sld [smem:$0x3FFC];
	_ =	sdelay $0x3  }
0x96: {  	_ =	strace s5  }
0x97: {  	s5 =	sld [smem:$0x3FFD];
	_ =	sdelay $0x3  }
0x98: {  	_ =	strace s5  }
0x99: {  	_ =	strace $0x8FFFFFFF  }
0x9a: {  	s20 =	sld [smem:$0x3FDB];
	_ =	sdelay $0x1  }
0x9b: {  	s6 =	simm.s32 $_scs_section_size  }
0x9c: {  	s7 =	simm.s32 $_size__tile_overlayer_lowered;
	s8 =	simm.s32 $_tile_overlayer_lowered  }
0x9d: {  	s23 =	simm.s32 $0x1BFF;
	s22 =	sshll.u32 s8, $0x1;
	s5 =	sadd.s32 s6, s20  }
0x9e: {  	s9 =	simm.s32 $0x0;
	s21 =	sshll.u32 s7, $0x1;
	s7 =	sadd.s32 s22, s5  }
0x9f: {  	[timem:s9], [sflag:s23] =	dma.local [hbm:s7], s21  }
0xa0: {  	_ =	swait.ge [sflag:s23], s21  }
0xa1: {  	s6 =	ssub.s32 $0x0, s21;
	[sflag:s23] =	ssyncset.done $0x0  }
0xa2: {  	[sflag:s23] =	ssyncadd.s32 s6;
	_ =	sdelay $0x1  }
0xa3: {  	s24 =	simm.s32 $0x1B8B  }
0xa4: {  	_ =	swait.ge [sflag:s24], $0x1  }
0xa5: {  	[sflag:s24] =	ssyncset.done $0x0  }
0xa6: {  	s25 =	simm.s32 $0x1B8E;
	[sflag:s24] =	ssyncadd.s32 $0xFFFFFFFF  }
0xa7: {  	s26 =	simm.s32 $execute0_lowered;
	[smem:$0x3FD2] =	sst s25  }
0xa8: {  	s6 =	sshll.u32 s26, $0x1;
	_ =	strace $0x80000046;
	[dreg:$0x1] =	wrdreg $0xFFFFFFFF  }
0xa9: {  	s28 =	simm.s32 $_size_execute0_lowered;
	s5 =	sadd.s32 s5, s6;
	[dreg:$0x0] =	wrdreg $0x0  }
0xaa: {  	s6 =	sshll.u32 s28, $0x1;
	[dreg:$0x2] =	wrdreg s5  }
0xab: {  	[dreg:$0x3] =	wrdreg s6  }
0xac: {  	[dreg:$0x4] =	wrdreg $0xC0  }
0xad: {  	_ =	task [dreg:s9], $0x5FFFF  }
0xae: {  	[dreg:$0x1] =	wrdreg $0xFFFFFFFF  }
0xaf: {  	[dreg:$0x0] =	wrdreg $0x60  }
0xb0: {  	[dreg:$0x2] =	wrdreg s2  }
0xb1: {  	[dreg:$0x3] =	wrdreg s19  }
0xb2: {  	[dreg:$0x4] =	wrdreg s4  }
0xb3: {  	[dreg:$0x5] =	wrdreg $0x0  }
0xb4: {  	[dreg:$0x6] =	wrdreg $0x9  }
0xb5: {  	_ =	task.clear_ibuf [dreg:s9], $0x7FFFF;
	_ =	strace $0x90000046  }
0xb6: {  	s29 =	simm.s32 $0x9;
	_ =	strace $0x80000048  }
0xb7: {  	_ =	swait.ge [sflag:s29], $0x1  }
0xb8: {  	[sflag:s29] =	ssyncadd.s32 $0xFFFFFFFF  }
0xb9: {  	_ =	strace $0x90000048  }
0xba: {  	_ =	sfence  }
0xbb: {  	s30 =	sld [smem:$0x0];
	_ =	sdelay $0x2  }
0xbc: {  	s31 =	sshll.u32 s1, $0xD;
	s1 =	sshrl.u32 s1, $0x2  }
0xbd: {  	s3 =	sand.u32 $0x4000, s31;
	s1 =	sadd.s32 s1, s30  }
0xbe: {  	s0 =	sor.u32 s3, s0;
	s1 =	sshll.u32 s1, $0x11  }
0xbf: {  	s0 =	sor.u32 s1, s0  }
0xc0: {  	s0 =	sadd.s32 $0x8F2B, s0  }
0xc1: {  	[sflag:s0] =	ssyncadd.remote.s32 $0x1  }
0xc2: {  	_ =	sfence.sel $0xFFFF  }
0xc3: {  	[dreg:$0x0] =	wrdreg $0xFFFFFFFF;
	(pc) =	sbr.abs _section_cstart, $3  }
0xc4: {  	[dreg:$0x1] =	wrdreg $0xFFFFFFFF  }
0xc5: {  	_ =	task.clear_ibuf [dreg:s9], $0x2FFFF;
	_ =	strace $0x9FFFFFFF  }
0xc6: {  	(tm) =	ssettm $0x7FFFFFFF  }
0xc7: {  	_ =	shalt  }
tec
execute0_lowered:
.L_overlay_start_1:
0x0: {  	(tag) =	ssettag $0x1  }
0x1: {  	s0 =	rddreg [dreg:$0x0]  }
0x2: {  	s1 =	rddreg [dreg:$0x1]  }
0x3: {  	s2 =	srdreg.scid;
	s4 =	rddreg [dreg:$0x2]  }
0x4: {  	s3 =	simm.s32 $0x0;
	s20 =	sand.u32 $0x1, s2;
	s2 =	rddreg [dreg:$0x3]  }
0x5: {  	s23 =	simm.s32 $0x1F60;
	[smem:$0x7FF] =	sst s3  }
0x6: {  	s24 =	simm.s32 $0x1F80;
	_ =	strace $0x80000047;
	[dreg:$0x19] =	wrdreg s23  }
0x7: {  	s25 =	simm.s32 $0x1FA0;
	[dreg:$0x1a] =	wrdreg s24  }
0x8: {  	s26 =	simm.s32 $0x1FC0;
	[dreg:$0x1b] =	wrdreg s25  }
0x9: {  	s8 =	stileid.u32;
	s28 =	simm.s32 $0x1FE0;
	[dreg:$0x1c] =	wrdreg s26  }
0xa: {  	s29 =	simm.s32 $0x2000;
	s5 =	sshll.u32 s8, $0xA;
	[dreg:$0x1d] =	wrdreg s28  }
0xb: {  	s6 =	sshll.u32 s20, $0x9;
	s30 =	sadd.s32 s0, s5;
	[dreg:$0x1e] =	wrdreg s29  }
0xc: {  	s0 =	sadd.s32 $0x3C00, s0;
	s6 =	sor.u32 s6, s5;
	[dreg:$0x6] =	wrdreg s30  }
0xd: {  	[dreg:$0x7] =	wrdreg s0;
	s30 =	simm.s32 $0x2020;
	s7 =	sshrl.u32 s6, $0x3  }
0xe: {  	s31 =	sshll.u32 s6, $0x4;
	[dreg:$0x1f] =	wrdreg s30;
	s1 =	sadd.s32 s1, s7  }
0xf: {  	s6 =	sadd.s32 s4, s31;
	s31 =	simm.s32 $0x2040;
	[dreg:$0x5] =	wrdreg s1  }
0x10: {  	s4 =	sadd.s32 $0x200, s6;
	[smem:$0x7F5] =	sst s31  }
0x11: {  	s5 =	sadd.s32 $0x400, s6;
	[dreg:$0x8] =	wrdreg s4  }
0x12: {  	s7 =	sadd.s32 $0x600, s6;
	[dreg:$0x9] =	wrdreg s5  }
0x13: {  	s9 =	sadd.s32 $0x800, s6;
	[dreg:$0xa] =	wrdreg s7  }
0x14: {  	s10 =	sadd.s32 $0xA00, s6;
	[dreg:$0xb] =	wrdreg s9  }
0x15: {  	s11 =	sadd.s32 $0xC00, s6;
	[dreg:$0xc] =	wrdreg s10  }
0x16: {  	s12 =	sadd.s32 $0xE00, s6;
	[dreg:$0xd] =	wrdreg s11  }
0x17: {  	s13 =	sadd.s32 $0x1000, s6;
	[dreg:$0xe] =	wrdreg s12  }
0x18: {  	s14 =	sadd.s32 $0x1200, s6;
	[dreg:$0xf] =	wrdreg s13  }
0x19: {  	s15 =	sadd.s32 $0x1400, s6;
	[dreg:$0x10] =	wrdreg s14  }
0x1a: {  	s16 =	sadd.s32 $0x1600, s6;
	[dreg:$0x11] =	wrdreg s15  }
0x1b: {  	s17 =	sadd.s32 $0x1800, s6;
	[dreg:$0x12] =	wrdreg s16  }
0x1c: {  	s19 =	sadd.s32 $0x1A00, s6;
	[dreg:$0x13] =	wrdreg s17  }
0x1d: {  	s21 =	sadd.s32 $0x1C00, s6;
	[dreg:$0x14] =	wrdreg s19  }
0x1e: {  	s22 =	sadd.s32 $0x1E00, s6;
	[dreg:$0x15] =	wrdreg s21  }
0x1f: {  	[dreg:$0x16] =	wrdreg s22  }
0x20: {  	s5 =	simm.s32 $0x20A0;
	s11 =	rddreg [dreg:$0x5]  }
0x21: {  	s7 =	simm.s32 $0x20C0;
	[smem:$0x7F8] =	sst s5  }
0x22: {  	s18 =	sshll.u32 s8, $0xD;
	s9 =	simm.s32 $0x20E0;
	[smem:$0x7F9] =	sst s7  }
0x23: {  	p0 =	seq.s32 s8, $0xF;
	s10 =	simm.s32 $0x2100;
	[smem:$0x7FA] =	sst s9  }
0x24: {  	s4 =	sadd.s32 $0x1E000, s2;
	s13 =	simm.s32 $0x2120;
	[smem:$0x7FB] =	sst s10  }
0x25: {  	s12 =	simm.s32 $0x1F40;
	s0 =	sshrl.u32 @p0 s4, $0x3;
	[smem:$0x7FC] =	sst s13  }
0x26: {  	[tilespmem:s12], [sflag:$0x12] =	stream.linear.gather [hbm4b:s11+s3], $0x200, $0x38;
	[tilespmem:$0x12140] =	vst v63  }
0x27: {  	s1 =	sadd.s32 s18, s2;
	s4 =	simm.s32 $0x2080;
	[dreg:$0x18] =	wrdreg s0  }
0x28: {  	s0 =	sshrl.u32 @!p0 s1, $0x3;
	[smem:$0x7F7] =	sst s4  }
0x29: {  	s1 =	simm.s32 $0x2060;
	[dreg:$0x17] =	wrdreg s0  }
0x2a: {  	[smem:$0x7F6] =	sst s1  }
0x2b: {  	s0 =	rddreg [dreg:$0x7]  }
0x2c: {  	s7 =	simm.s32 @p0 $0x13;
	s4 =	simm.s32 @p0 $0x1FD3;
	s5 =	rddreg [dreg:$0x18]  }
0x2d: {  	[spmem:s5], [sflag:s4] =	dma.local @p0 [hbm:s0], $0x280  }
0x2e: {  	_ =	swait.ge @p0 [sflag:s7], $0x280  }
0x2f: {  	s4 =	sshll.u32 @!p0 s8, $0x6;
	s0 =	rddreg [dreg:$0x6]  }
0x30: {  	s4 =	sor.u32 @!p0 $0x1C13, s4;
	s1 =	rddreg [dreg:$0x17];
	[sflag:s7] =	ssyncset.done @p0 $0x0  }
0x31: {  	s5 =	simm.s32 @!p0 $0x13;
	[smem:$0x7F4] =	sst s4;
	[sflag:s7] =	ssyncadd.s32 @p0 $0xFFFFFD80  }
0x32: {  	[spmem:s1], [sflag:s4] =	dma.local @!p0 [hbm:s0], $0x400  }
0x33: {  	_ =	swait.ge @!p0 [sflag:s5], $0x400  }
0x34: {  	[sflag:s5] =	ssyncset.done @!p0 $0x0  }
0x35: {  	s14 =	simm.s32 $0x12;
	[sflag:s5] =	ssyncadd.s32 @!p0 $0xFFFFFC00  }
0x36: {  	_ =	swait.ge [sflag:s14], $0x200  }
0x37: {  	[sflag:s14] =	ssyncset.done $0x0  }
0x38: {  	[sflag:s14] =	ssyncadd.s32 $0xFFFFFE00  }
0x39: {  	[bflag:$0x0] =	sbarrier.arrive $0xFFFF  }
0x3a: {  	s11 =	simm.s32 $0x20;
	s4 =	simm.s32 $0x2140;
	s15 =	rddreg [dreg:$0x19]  }
0x3b: {  	[tilespmem:s4], [sflag:$0x1] =	stream.indirect.gather [spmem:s2], $0x80, s12, s11, $0xb8;
	[tilespmem:$0x12140] =	vst v63  }
0x3c: {  	s5 =	simm.s32 $0x3140;
	s16 =	rddreg [dreg:$0x1a]  }
0x3d: {  	[tilespmem:s5], [sflag:$0x2] =	stream.indirect.gather [spmem:s2], $0x80, s15, s11, $0xb8;
	[tilespmem:$0x12140] =	vst v63  }
0x3e: {  	s8 =	simm.s32 $0x4140;
	s17 =	rddreg [dreg:$0x1b]  }
0x3f: {  	[tilespmem:s8], [sflag:$0x3] =	stream.indirect.gather [spmem:s2], $0x80, s16, s11, $0xb8;
	[tilespmem:$0x12140] =	vst v63  }
0x40: {  	s12 =	simm.s32 $0x5140;
	s18 =	rddreg [dreg:$0x1c]  }
0x41: {  	[tilespmem:s12], [sflag:$0x4] =	stream.indirect.gather [spmem:s2], $0x80, s17, s11, $0xb8;
	[tilespmem:$0x12140] =	vst v63  }
0x42: {  	s13 =	simm.s32 $0x6140;
	s19 =	rddreg [dreg:$0x1d]  }
0x43: {  	[tilespmem:s13], [sflag:$0x5] =	stream.indirect.gather [spmem:s2], $0x80, s18, s11, $0xb8;
	[tilespmem:$0x12140] =	vst v63  }
0x44: {  	s7 =	simm.s32 $0x7140;
	s21 =	rddreg [dreg:$0x1e]  }
0x45: {  	[tilespmem:s7], [sflag:$0x6] =	stream.indirect.gather [spmem:s2], $0x80, s19, s11, $0xb8;
	[tilespmem:$0x12140] =	vst v63  }
0x46: {  	s9 =	simm.s32 $0x8140;
	s22 =	rddreg [dreg:$0x1f]  }
0x47: {  	[tilespmem:s9], [sflag:$0x7] =	stream.indirect.gather [spmem:s2], $0x80, s21, s11, $0xb8;
	[tilespmem:$0x12140] =	vst v63  }
0x48: {  	s10 =	simm.s32 $0x9140;
	s23 =	sld [smem:$0x7F5]  }
0x49: {  	[tilespmem:s10], [sflag:$0x8] =	stream.indirect.gather [spmem:s2], $0x80, s22, s11, $0xb8;
	[tilespmem:$0x12140] =	vst v63  }
0x4a: {  	s14 =	simm.s32 $0xA140;
	s24 =	sld [smem:$0x7F6]  }
0x4b: {  	[tilespmem:s14], [sflag:$0x9] =	stream.indirect.gather [spmem:s2], $0x80, s23, s11, $0xb8;
	[tilespmem:$0x12140] =	vst v63  }
0x4c: {  	s25 =	sld [smem:$0x7F7];
	s15 =	simm.s32 $0xB140  }
0x4d: {  	[tilespmem:s15], [sflag:$0xA] =	stream.indirect.gather [spmem:s2], $0x80, s24, s11, $0xb8;
	[tilespmem:$0x12140] =	vst v63  }
0x4e: {  	s26 =	sld [smem:$0x7F8];
	s16 =	simm.s32 $0xC140  }
0x4f: {  	[tilespmem:s16], [sflag:$0xB] =	stream.indirect.gather [spmem:s2], $0x80, s25, s11, $0xb8;
	[tilespmem:$0x12140] =	vst v63  }
0x50: {  	s28 =	sld [smem:$0x7F9];
	s17 =	simm.s32 $0xD140  }
0x51: {  	[tilespmem:s17], [sflag:$0xC] =	stream.indirect.gather [spmem:s2], $0x80, s26, s11, $0xb8;
	[tilespmem:$0x12140] =	vst v63  }
0x52: {  	s29 =	sld [smem:$0x7FA];
	s18 =	simm.s32 $0xE140  }
0x53: {  	[tilespmem:s18], [sflag:$0xD] =	stream.indirect.gather [spmem:s2], $0x80, s28, s11, $0xb8;
	[tilespmem:$0x12140] =	vst v63  }
0x54: {  	s30 =	sld [smem:$0x7FB];
	s19 =	simm.s32 $0xF140  }
0x55: {  	[tilespmem:s19], [sflag:$0xE] =	stream.indirect.gather [spmem:s2], $0x80, s29, s11, $0xb8;
	[tilespmem:$0x12140] =	vst v63  }
0x56: {  	s31 =	sld [smem:$0x7FC];
	s21 =	simm.s32 $0x10140  }
0x57: {  	[tilespmem:s21], [sflag:$0xF] =	stream.indirect.gather [spmem:s2], $0x80, s30, s11, $0xb8;
	[tilespmem:$0x12140] =	vst v63  }
0x58: {  	s1 =	simm.s32 $0x11140;
	s22 =	simm.s32 $0x1  }
0x59: {  	[tilespmem:s1], [sflag:$0x10] =	stream.indirect.gather [spmem:s2], $0x80, s31, s11, $0xb8;
	[tilespmem:$0x12140] =	vst v63  }
0x5a: {  	_ =	swait.ge [sflag:s22], $0x1000  }
0x5b: {  	[sflag:s22] =	ssyncset.done $0x0  }
0x5c: {  	s23 =	simm.s32 $0x2;
	[smem:$0x7FD] =	sst s6;
	[sflag:s22] =	ssyncadd.s32 $0xFFFFF000  }
0x5d: {  	[hbm4b:s6+s3] =	stream.linear.scatter [tilespmem:s4], [sflag:$0x11], $0x1000, $0x38;
	[tilespmem:$0x12140] =	vst v63  }
0x5e: {  	_ =	swait.ge [sflag:s23], $0x1000  }
0x5f: {  	[sflag:s23] =	ssyncset.done $0x0  }
0x60: {  	s25 =	simm.s32 $0x3;
	s24 =	rddreg [dreg:$0x8];
	[sflag:s23] =	ssyncadd.s32 $0xFFFFF000  }
0x61: {  	[hbm4b:s24+s3] =	stream.linear.scatter [tilespmem:s5], [sflag:$0x11], $0x1000, $0x38;
	[tilespmem:$0x12140] =	vst v63  }
0x62: {  	_ =	swait.ge [sflag:s25], $0x1000  }
0x63: {  	[sflag:s25] =	ssyncset.done $0x0  }
0x64: {  	s28 =	simm.s32 $0x4;
	s26 =	rddreg [dreg:$0x9];
	[sflag:s25] =	ssyncadd.s32 $0xFFFFF000  }
0x65: {  	[hbm4b:s26+s3] =	stream.linear.scatter [tilespmem:s8], [sflag:$0x11], $0x1000, $0x38;
	[tilespmem:$0x12140] =	vst v63  }
0x66: {  	_ =	swait.ge [sflag:s28], $0x1000  }
0x67: {  	[sflag:s28] =	ssyncset.done $0x0  }
0x68: {  	s30 =	simm.s32 $0x5;
	s29 =	rddreg [dreg:$0xa];
	[sflag:s28] =	ssyncadd.s32 $0xFFFFF000  }
0x69: {  	[hbm4b:s29+s3] =	stream.linear.scatter [tilespmem:s12], [sflag:$0x11], $0x1000, $0x38;
	[tilespmem:$0x12140] =	vst v63  }
0x6a: {  	_ =	swait.ge [sflag:s30], $0x1000  }
0x6b: {  	[sflag:s30] =	ssyncset.done $0x0  }
0x6c: {  	s5 =	simm.s32 $0x6;
	s31 =	rddreg [dreg:$0xb];
	[sflag:s30] =	ssyncadd.s32 $0xFFFFF000  }
0x6d: {  	[hbm4b:s31+s3] =	stream.linear.scatter [tilespmem:s13], [sflag:$0x11], $0x1000, $0x38;
	[tilespmem:$0x12140] =	vst v63  }
0x6e: {  	_ =	swait.ge [sflag:s5], $0x1000  }
0x6f: {  	[sflag:s5] =	ssyncset.done $0x0  }
0x70: {  	s8 =	simm.s32 $0x7;
	s6 =	rddreg [dreg:$0xc];
	[sflag:s5] =	ssyncadd.s32 $0xFFFFF000  }
0x71: {  	[hbm4b:s6+s3] =	stream.linear.scatter [tilespmem:s7], [sflag:$0x11], $0x1000, $0x38;
	[tilespmem:$0x12140] =	vst v63  }
0x72: {  	_ =	swait.ge [sflag:s8], $0x1000  }
0x73: {  	[sflag:s8] =	ssyncset.done $0x0  }
0x74: {  	s5 =	simm.s32 $0x8;
	s12 =	rddreg [dreg:$0xd];
	[sflag:s8] =	ssyncadd.s32 $0xFFFFF000  }
0x75: {  	[hbm4b:s12+s3] =	stream.linear.scatter [tilespmem:s9], [sflag:$0x11], $0x1000, $0x38;
	[tilespmem:$0x12140] =	vst v63  }
0x76: {  	_ =	swait.ge [sflag:s5], $0x1000  }
0x77: {  	[sflag:s5] =	ssyncset.done $0x0  }
0x78: {  	s8 =	simm.s32 $0x9;
	s13 =	rddreg [dreg:$0xe];
	[sflag:s5] =	ssyncadd.s32 $0xFFFFF000  }
0x79: {  	[hbm4b:s13+s3] =	stream.linear.scatter [tilespmem:s10], [sflag:$0x11], $0x1000, $0x38;
	[tilespmem:$0x12140] =	vst v63  }
0x7a: {  	_ =	swait.ge [sflag:s8], $0x1000  }
0x7b: {  	[sflag:s8] =	ssyncset.done $0x0  }
0x7c: {  	s12 =	simm.s32 $0xA;
	s22 =	rddreg [dreg:$0xf];
	[sflag:s8] =	ssyncadd.s32 $0xFFFFF000  }
0x7d: {  	[hbm4b:s22+s3] =	stream.linear.scatter [tilespmem:s14], [sflag:$0x11], $0x1000, $0x38;
	[tilespmem:$0x12140] =	vst v63  }
0x7e: {  	_ =	swait.ge [sflag:s12], $0x1000  }
0x7f: {  	[sflag:s12] =	ssyncset.done $0x0  }
0x80: {  	s13 =	simm.s32 $0xB;
	s23 =	rddreg [dreg:$0x10];
	[sflag:s12] =	ssyncadd.s32 $0xFFFFF000  }
0x81: {  	[hbm4b:s23+s3] =	stream.linear.scatter [tilespmem:s15], [sflag:$0x11], $0x1000, $0x38;
	[tilespmem:$0x12140] =	vst v63  }
0x82: {  	_ =	swait.ge [sflag:s13], $0x1000  }
0x83: {  	[sflag:s13] =	ssyncset.done $0x0  }
0x84: {  	s14 =	simm.s32 $0xC;
	s24 =	rddreg [dreg:$0x11];
	[sflag:s13] =	ssyncadd.s32 $0xFFFFF000  }
0x85: {  	[hbm4b:s24+s3] =	stream.linear.scatter [tilespmem:s16], [sflag:$0x11], $0x1000, $0x38;
	[tilespmem:$0x12140] =	vst v63  }
0x86: {  	_ =	swait.ge [sflag:s14], $0x1000  }
0x87: {  	[sflag:s14] =	ssyncset.done $0x0  }
0x88: {  	s15 =	simm.s32 $0xD;
	s25 =	rddreg [dreg:$0x12];
	[sflag:s14] =	ssyncadd.s32 $0xFFFFF000  }
0x89: {  	[hbm4b:s25+s3] =	stream.linear.scatter [tilespmem:s17], [sflag:$0x11], $0x1000, $0x38;
	[tilespmem:$0x12140] =	vst v63  }
0x8a: {  	_ =	swait.ge [sflag:s15], $0x1000  }
0x8b: {  	[sflag:s15] =	ssyncset.done $0x0  }
0x8c: {  	s16 =	simm.s32 $0xE;
	s26 =	rddreg [dreg:$0x13];
	[sflag:s15] =	ssyncadd.s32 $0xFFFFF000  }
0x8d: {  	[hbm4b:s26+s3] =	stream.linear.scatter [tilespmem:s18], [sflag:$0x11], $0x1000, $0x38;
	[tilespmem:$0x12140] =	vst v63  }
0x8e: {  	_ =	swait.ge [sflag:s16], $0x1000  }
0x8f: {  	[sflag:s16] =	ssyncset.done $0x0  }
0x90: {  	s17 =	simm.s32 $0xF;
	s28 =	rddreg [dreg:$0x14];
	[sflag:s16] =	ssyncadd.s32 $0xFFFFF000  }
0x91: {  	[hbm4b:s28+s3] =	stream.linear.scatter [tilespmem:s19], [sflag:$0x11], $0x1000, $0x38;
	[tilespmem:$0x12140] =	vst v63  }
0x92: {  	_ =	swait.ge [sflag:s17], $0x1000  }
0x93: {  	[sflag:s17] =	ssyncset.done $0x0  }
0x94: {  	s18 =	simm.s32 $0x10;
	s29 =	rddreg [dreg:$0x15];
	[sflag:s17] =	ssyncadd.s32 $0xFFFFF000  }
0x95: {  	[hbm4b:s29+s3] =	stream.linear.scatter [tilespmem:s21], [sflag:$0x11], $0x1000, $0x38;
	[tilespmem:$0x12140] =	vst v63  }
0x96: {  	_ =	swait.ge [sflag:s18], $0x1000  }
0x97: {  	[sflag:s18] =	ssyncset.done $0x0  }
0x98: {  	s19 =	simm.s32 $0x11;
	s30 =	rddreg [dreg:$0x16];
	[sflag:s18] =	ssyncadd.s32 $0xFFFFF000  }
0x99: {  	[hbm4b:s30+s3] =	stream.linear.scatter [tilespmem:s1], [sflag:$0x11], $0x1000, $0x38;
	[tilespmem:$0x12140] =	vst v63  }
0x9a: {  	_ =	swait.ge [sflag:s19], $0x1000  }
0x9b: {  	[sflag:s19] =	ssyncset.done $0x0  }
0x9c: {  	[sflag:s19] =	ssyncadd.s32 $0xFFFFF000  }
0x9d: {  	_ =	swait.ge [sflag:s19], $0x1000  }
0x9e: {  	[sflag:s19] =	ssyncset.done $0x0  }
0x9f: {  	[sflag:s19] =	ssyncadd.s32 $0xFFFFF000  }
0xa0: {  	_ =	swait.ge [sflag:s19], $0x1000  }
0xa1: {  	[sflag:s19] =	ssyncset.done $0x0  }
0xa2: {  	[sflag:s19] =	ssyncadd.s32 $0xFFFFF000  }
0xa3: {  	_ =	swait.ge [sflag:s19], $0x1000  }
0xa4: {  	[sflag:s19] =	ssyncset.done $0x0  }
0xa5: {  	[sflag:s19] =	ssyncadd.s32 $0xFFFFF000  }
0xa6: {  	_ =	swait.ge [sflag:s19], $0x1000  }
0xa7: {  	[sflag:s19] =	ssyncset.done $0x0  }
0xa8: {  	[sflag:s19] =	ssyncadd.s32 $0xFFFFF000  }
0xa9: {  	_ =	swait.ge [sflag:s19], $0x1000  }
0xaa: {  	[sflag:s19] =	ssyncset.done $0x0  }
0xab: {  	[sflag:s19] =	ssyncadd.s32 $0xFFFFF000  }
0xac: {  	_ =	swait.ge [sflag:s19], $0x1000  }
0xad: {  	[sflag:s19] =	ssyncset.done $0x0  }
0xae: {  	[sflag:s19] =	ssyncadd.s32 $0xFFFFF000  }
0xaf: {  	_ =	swait.ge [sflag:s19], $0x1000  }
0xb0: {  	[sflag:s19] =	ssyncset.done $0x0  }
0xb1: {  	[sflag:s19] =	ssyncadd.s32 $0xFFFFF000  }
0xb2: {  	_ =	swait.ge [sflag:s19], $0x1000  }
0xb3: {  	[sflag:s19] =	ssyncset.done $0x0  }
0xb4: {  	[sflag:s19] =	ssyncadd.s32 $0xFFFFF000  }
0xb5: {  	_ =	swait.ge [sflag:s19], $0x1000  }
0xb6: {  	[sflag:s19] =	ssyncset.done $0x0  }
0xb7: {  	[sflag:s19] =	ssyncadd.s32 $0xFFFFF000  }
0xb8: {  	_ =	swait.ge [sflag:s19], $0x1000  }
0xb9: {  	[sflag:s19] =	ssyncset.done $0x0  }
0xba: {  	[sflag:s19] =	ssyncadd.s32 $0xFFFFF000  }
0xbb: {  	_ =	swait.ge [sflag:s19], $0x1000  }
0xbc: {  	s31 =	ssub.s32 $0x2, s20;
	[sflag:s19] =	ssyncset.done $0x0  }
0xbd: {  	s20 =	sshrl.u32 s31, $0x1;
	[sflag:s19] =	ssyncadd.s32 $0xFFFFF000  }
0xbe: {  	s20 =	ssub.s32 s31, s20;
	_ =	swait.ge [sflag:s19], $0x1000  }
0xbf: {  	s20 =	smax.u32 s20, $0x1;
	[sflag:s19] =	ssyncset.done $0x0  }
0xc0: {  	s20 =	sadd.s32 $0xFFFFFFFF, s20;
	[sflag:s19] =	ssyncadd.s32 $0xFFFFF000  }
0xc1: {  	p1 =	sne.s32 s20, $0x0;
	_ =	swait.ge [sflag:s19], $0x1000  }
.Ltmp0:
0xc2: {  	[sflag:s19] =	ssyncset.done $0x0;
	(pc) =	sbr.rel @!p1 .LBB2_3-.Ltmp0, $4  }
0xc3: {  	[sflag:s19] =	ssyncadd.s32 $0xFFFFF000  }
0xc4: {  	_ =	swait.ge [sflag:s19], $0x1000  }
0xc5: {  	[sflag:s19] =	ssyncset.done $0x0  }
0xc6: {  	[sflag:s19] =	ssyncadd.s32 $0xFFFFF000  }
0xc7: {  	s26 =	simm.s32 $0x4140;
	s28 =	simm.s32 $0x5140;
	s24 =	simm.s32 $0x6140  }
0xc8: {  	s9 =	simm.s32 $0x8140;
	s10 =	simm.s32 $0x9140;
	s29 =	simm.s32 $0xA140  }
0xc9: {  	s30 =	simm.s32 $0xB140;
	s31 =	simm.s32 $0xC140;
	s1 =	simm.s32 $0xD140  }
0xca: {  	s0 =	simm.s32 $0xE140;
	s6 =	simm.s32 $0xF140;
	s4 =	simm.s32 $0x10140  }
.LBB2_2:
0xcb: {  	_ =	swait.ge [sflag:s19], $0x1000  }
0xcc: {  	s21 =	rddreg [dreg:$0x7];
	[sflag:s19] =	ssyncset.done $0x0  }
0xcd: {  	s25 =	simm.s32 $0x1F40;
	s22 =	rddreg [dreg:$0x5];
	[sflag:s19] =	ssyncadd.s32 $0xFFFFF000  }
0xce: {  	[tilespmem:s25], [sflag:$0x12] =	stream.linear.gather [hbm4b:s22+s3], $0x200, $0x38;
	[tilespmem:$0x12140] =	vst v63  }
0xcf: {  	s7 =	simm.s32 @p0 $0x13;
	s23 =	rddreg [dreg:$0x18];
	s22 =	simm.s32 @p0 $0x1FD3  }
0xd0: {  	[spmem:s23], [sflag:s22] =	dma.local @p0 [hbm:s21], $0x280  }
0xd1: {  	_ =	swait.ge @p0 [sflag:s7], $0x280  }
0xd2: {  	s23 =	sld [smem:$0x7F4]  }
0xd3: {  	[sflag:s7] =	ssyncset.done @p0 $0x0;
	s21 =	rddreg [dreg:$0x6]  }
0xd4: {  	s22 =	rddreg [dreg:$0x17];
	[sflag:s7] =	ssyncadd.s32 @p0 $0xFFFFFD80;
	s7 =	simm.s32 @!p0 $0x13  }
0xd5: {  	[spmem:s22], [sflag:s23] =	dma.local @!p0 [hbm:s21], $0x400  }
0xd6: {  	_ =	swait.ge @!p0 [sflag:s7], $0x400  }
0xd7: {  	[sflag:s7] =	ssyncset.done @!p0 $0x0  }
0xd8: {  	s21 =	simm.s32 $0x12;
	[sflag:s7] =	ssyncadd.s32 @!p0 $0xFFFFFC00  }
0xd9: {  	_ =	swait.ge [sflag:s21], $0x200  }
0xda: {  	[sflag:s21] =	ssyncset.done $0x0  }
0xdb: {  	[sflag:s21] =	ssyncadd.s32 $0xFFFFFE00  }
0xdc: {  	[bflag:$0x0] =	sbarrier.arrive $0xFFFF  }
0xdd: {  	s23 =	simm.s32 $0x2140;
	s22 =	rddreg [dreg:$0x19]  }
0xde: {  	[tilespmem:s23], [sflag:$0x1] =	stream.indirect.gather [spmem:s2], $0x80, s25, s11, $0xb8;
	[tilespmem:$0x12140] =	vst v63  }
0xdf: {  	s7 =	rddreg [dreg:$0x1a];
	s25 =	simm.s32 $0x3140  }
0xe0: {  	[tilespmem:s25], [sflag:$0x2] =	stream.indirect.gather [spmem:s2], $0x80, s22, s11, $0xb8;
	[tilespmem:$0x12140] =	vst v63  }
0xe1: {  	s21 =	rddreg [dreg:$0x1b]  }
0xe2: {  	[tilespmem:s26], [sflag:$0x3] =	stream.indirect.gather [spmem:s2], $0x80, s7, s11, $0xb8;
	[tilespmem:$0x12140] =	vst v63  }
0xe3: {  	s22 =	rddreg [dreg:$0x1e]  }
0xe4: {  	[tilespmem:s28], [sflag:$0x4] =	stream.indirect.gather [spmem:s2], $0x80, s21, s11, $0xb8;
	[tilespmem:$0x12140] =	vst v63  }
0xe5: {  	s7 =	rddreg [dreg:$0x1c]  }
0xe6: {  	[tilespmem:s24], [sflag:$0x5] =	stream.indirect.gather [spmem:s2], $0x80, s7, s11, $0xb8;
	[tilespmem:$0x12140] =	vst v63  }
0xe7: {  	s21 =	rddreg [dreg:$0x1d];
	s7 =	simm.s32 $0x7140  }
0xe8: {  	[tilespmem:s7], [sflag:$0x6] =	stream.indirect.gather [spmem:s2], $0x80, s21, s11, $0xb8;
	[tilespmem:$0x12140] =	vst v63  }
0xe9: {  	s21 =	rddreg [dreg:$0x1f]  }
0xea: {  	[tilespmem:s9], [sflag:$0x7] =	stream.indirect.gather [spmem:s2], $0x80, s22, s11, $0xb8;
	[tilespmem:$0x12140] =	vst v63  }
0xeb: {  	s22 =	sld [smem:$0x7F5]  }
0xec: {  	[tilespmem:s10], [sflag:$0x8] =	stream.indirect.gather [spmem:s2], $0x80, s21, s11, $0xb8;
	[tilespmem:$0x12140] =	vst v63  }
0xed: {  	s21 =	sld [smem:$0x7F6]  }
0xee: {  	[tilespmem:s29], [sflag:$0x9] =	stream.indirect.gather [spmem:s2], $0x80, s22, s11, $0xb8;
	[tilespmem:$0x12140] =	vst v63  }
0xef: {  	s22 =	sld [smem:$0x7F7]  }
0xf0: {  	[tilespmem:s30], [sflag:$0xA] =	stream.indirect.gather [spmem:s2], $0x80, s21, s11, $0xb8;
	[tilespmem:$0x12140] =	vst v63  }
0xf1: {  	s21 =	sld [smem:$0x7F8]  }
0xf2: {  	[tilespmem:s31], [sflag:$0xB] =	stream.indirect.gather [spmem:s2], $0x80, s22, s11, $0xb8;
	[tilespmem:$0x12140] =	vst v63  }
0xf3: {  	s22 =	sld [smem:$0x7F9]  }
0xf4: {  	[tilespmem:s1], [sflag:$0xC] =	stream.indirect.gather [spmem:s2], $0x80, s21, s11, $0xb8;
	[tilespmem:$0x12140] =	vst v63  }
0xf5: {  	s21 =	sld [smem:$0x7FA]  }
0xf6: {  	[tilespmem:s0], [sflag:$0xD] =	stream.indirect.gather [spmem:s2], $0x80, s22, s11, $0xb8;
	[tilespmem:$0x12140] =	vst v63  }
0xf7: {  	s22 =	sld [smem:$0x7FB]  }
0xf8: {  	[tilespmem:s6], [sflag:$0xE] =	stream.indirect.gather [spmem:s2], $0x80, s21, s11, $0xb8;
	[tilespmem:$0x12140] =	vst v63  }
0xf9: {  	s21 =	sld [smem:$0x7FC]  }
0xfa: {  	[tilespmem:s4], [sflag:$0xF] =	stream.indirect.gather [spmem:s2], $0x80, s22, s11, $0xb8;
	[tilespmem:$0x12140] =	vst v63  }
0xfb: {  	s22 =	simm.s32 $0x11140  }
0xfc: {  	[tilespmem:s22], [sflag:$0x10] =	stream.indirect.gather [spmem:s2], $0x80, s21, s11, $0xb8;
	[tilespmem:$0x12140] =	vst v63  }
0xfd: {  	s21 =	simm.s32 $0x1  }
0xfe: {  	_ =	swait.ge [sflag:s21], $0x1000  }
0xff: {  	[sflag:s21] =	ssyncset.done $0x0  }
0x100: {  	[sflag:s21] =	ssyncadd.s32 $0xFFFFF000;
	s21 =	sld [smem:$0x7FD];
	_ =	sdelay $0x2  }
0x101: {  	[hbm4b:s21+s3] =	stream.linear.scatter [tilespmem:s23], [sflag:$0x11], $0x1000, $0x38;
	[tilespmem:$0x12140] =	vst v63  }
0x102: {  	s23 =	simm.s32 $0x2  }
0x103: {  	_ =	swait.ge [sflag:s23], $0x1000  }
0x104: {  	[sflag:s23] =	ssyncset.done $0x0  }
0x105: {  	s21 =	rddreg [dreg:$0x8];
	[sflag:s23] =	ssyncadd.s32 $0xFFFFF000  }
0x106: {  	[hbm4b:s21+s3] =	stream.linear.scatter [tilespmem:s25], [sflag:$0x11], $0x1000, $0x38;
	[tilespmem:$0x12140] =	vst v63  }
0x107: {  	s21 =	simm.s32 $0x3  }
0x108: {  	_ =	swait.ge [sflag:s21], $0x1000  }
0x109: {  	[sflag:s21] =	ssyncset.done $0x0  }
0x10a: {  	s25 =	rddreg [dreg:$0x9];
	[sflag:s21] =	ssyncadd.s32 $0xFFFFF000;
	s21 =	simm.s32 $0x4  }
0x10b: {  	[hbm4b:s25+s3] =	stream.linear.scatter [tilespmem:s26], [sflag:$0x11], $0x1000, $0x38;
	[tilespmem:$0x12140] =	vst v63  }
0x10c: {  	_ =	swait.ge [sflag:s21], $0x1000  }
0x10d: {  	[sflag:s21] =	ssyncset.done $0x0  }
0x10e: {  	s25 =	rddreg [dreg:$0xa];
	[sflag:s21] =	ssyncadd.s32 $0xFFFFF000;
	s21 =	simm.s32 $0x5  }
0x10f: {  	[hbm4b:s25+s3] =	stream.linear.scatter [tilespmem:s28], [sflag:$0x11], $0x1000, $0x38;
	[tilespmem:$0x12140] =	vst v63  }
0x110: {  	_ =	swait.ge [sflag:s21], $0x1000  }
0x111: {  	[sflag:s21] =	ssyncset.done $0x0  }
0x112: {  	s25 =	rddreg [dreg:$0xb];
	[sflag:s21] =	ssyncadd.s32 $0xFFFFF000;
	s21 =	simm.s32 $0x6  }
0x113: {  	[hbm4b:s25+s3] =	stream.linear.scatter [tilespmem:s24], [sflag:$0x11], $0x1000, $0x38;
	[tilespmem:$0x12140] =	vst v63  }
0x114: {  	_ =	swait.ge [sflag:s21], $0x1000  }
0x115: {  	[sflag:s21] =	ssyncset.done $0x0  }
0x116: {  	s23 =	simm.s32 $0x7;
	s25 =	rddreg [dreg:$0xc];
	[sflag:s21] =	ssyncadd.s32 $0xFFFFF000  }
0x117: {  	[hbm4b:s25+s3] =	stream.linear.scatter [tilespmem:s7], [sflag:$0x11], $0x1000, $0x38;
	[tilespmem:$0x12140] =	vst v63  }
0x118: {  	_ =	swait.ge [sflag:s23], $0x1000  }
0x119: {  	[sflag:s23] =	ssyncset.done $0x0  }
0x11a: {  	s25 =	rddreg [dreg:$0xd];
	[sflag:s23] =	ssyncadd.s32 $0xFFFFF000  }
0x11b: {  	[hbm4b:s25+s3] =	stream.linear.scatter [tilespmem:s9], [sflag:$0x11], $0x1000, $0x38;
	[tilespmem:$0x12140] =	vst v63  }
0x11c: {  	_ =	swait.ge [sflag:s5], $0x1000  }
0x11d: {  	[sflag:s5] =	ssyncset.done $0x0  }
0x11e: {  	s7 =	rddreg [dreg:$0xe];
	[sflag:s5] =	ssyncadd.s32 $0xFFFFF000  }
0x11f: {  	[hbm4b:s7+s3] =	stream.linear.scatter [tilespmem:s10], [sflag:$0x11], $0x1000, $0x38;
	[tilespmem:$0x12140] =	vst v63  }
0x120: {  	_ =	swait.ge [sflag:s8], $0x1000  }
0x121: {  	[sflag:s8] =	ssyncset.done $0x0  }
0x122: {  	s23 =	rddreg [dreg:$0xf];
	[sflag:s8] =	ssyncadd.s32 $0xFFFFF000  }
0x123: {  	[hbm4b:s23+s3] =	stream.linear.scatter [tilespmem:s29], [sflag:$0x11], $0x1000, $0x38;
	[tilespmem:$0x12140] =	vst v63  }
0x124: {  	_ =	swait.ge [sflag:s12], $0x1000  }
0x125: {  	[sflag:s12] =	ssyncset.done $0x0  }
0x126: {  	s25 =	rddreg [dreg:$0x10];
	[sflag:s12] =	ssyncadd.s32 $0xFFFFF000  }
0x127: {  	[hbm4b:s25+s3] =	stream.linear.scatter [tilespmem:s30], [sflag:$0x11], $0x1000, $0x38;
	[tilespmem:$0x12140] =	vst v63  }
0x128: {  	_ =	swait.ge [sflag:s13], $0x1000  }
0x129: {  	[sflag:s13] =	ssyncset.done $0x0  }
0x12a: {  	s7 =	rddreg [dreg:$0x11];
	[sflag:s13] =	ssyncadd.s32 $0xFFFFF000  }
0x12b: {  	[hbm4b:s7+s3] =	stream.linear.scatter [tilespmem:s31], [sflag:$0x11], $0x1000, $0x38;
	[tilespmem:$0x12140] =	vst v63  }
0x12c: {  	_ =	swait.ge [sflag:s14], $0x1000  }
0x12d: {  	[sflag:s14] =	ssyncset.done $0x0  }
0x12e: {  	s23 =	rddreg [dreg:$0x12];
	[sflag:s14] =	ssyncadd.s32 $0xFFFFF000  }
0x12f: {  	[hbm4b:s23+s3] =	stream.linear.scatter [tilespmem:s1], [sflag:$0x11], $0x1000, $0x38;
	[tilespmem:$0x12140] =	vst v63  }
0x130: {  	_ =	swait.ge [sflag:s15], $0x1000  }
0x131: {  	[sflag:s15] =	ssyncset.done $0x0  }
0x132: {  	s25 =	rddreg [dreg:$0x13];
	[sflag:s15] =	ssyncadd.s32 $0xFFFFF000  }
0x133: {  	[hbm4b:s25+s3] =	stream.linear.scatter [tilespmem:s0], [sflag:$0x11], $0x1000, $0x38;
	[tilespmem:$0x12140] =	vst v63  }
0x134: {  	_ =	swait.ge [sflag:s16], $0x1000  }
0x135: {  	[sflag:s16] =	ssyncset.done $0x0  }
0x136: {  	s7 =	rddreg [dreg:$0x14];
	[sflag:s16] =	ssyncadd.s32 $0xFFFFF000  }
0x137: {  	[hbm4b:s7+s3] =	stream.linear.scatter [tilespmem:s6], [sflag:$0x11], $0x1000, $0x38;
	[tilespmem:$0x12140] =	vst v63  }
0x138: {  	_ =	swait.ge [sflag:s17], $0x1000  }
0x139: {  	[sflag:s17] =	ssyncset.done $0x0  }
0x13a: {  	s23 =	rddreg [dreg:$0x15];
	[sflag:s17] =	ssyncadd.s32 $0xFFFFF000  }
0x13b: {  	[hbm4b:s23+s3] =	stream.linear.scatter [tilespmem:s4], [sflag:$0x11], $0x1000, $0x38;
	[tilespmem:$0x12140] =	vst v63  }
0x13c: {  	_ =	swait.ge [sflag:s18], $0x1000  }
0x13d: {  	[sflag:s18] =	ssyncset.done $0x0  }
0x13e: {  	s25 =	rddreg [dreg:$0x16];
	[sflag:s18] =	ssyncadd.s32 $0xFFFFF000  }
0x13f: {  	[hbm4b:s25+s3] =	stream.linear.scatter [tilespmem:s22], [sflag:$0x11], $0x1000, $0x38;
	[tilespmem:$0x12140] =	vst v63  }
0x140: {  	_ =	swait.ge [sflag:s19], $0x1000  }
0x141: {  	[sflag:s19] =	ssyncset.done $0x0  }
0x142: {  	[sflag:s19] =	ssyncadd.s32 $0xFFFFF000  }
0x143: {  	_ =	swait.ge [sflag:s19], $0x1000  }
0x144: {  	[sflag:s19] =	ssyncset.done $0x0  }
0x145: {  	[sflag:s19] =	ssyncadd.s32 $0xFFFFF000  }
0x146: {  	_ =	swait.ge [sflag:s19], $0x1000  }
0x147: {  	[sflag:s19] =	ssyncset.done $0x0  }
0x148: {  	[sflag:s19] =	ssyncadd.s32 $0xFFFFF000  }
0x149: {  	_ =	swait.ge [sflag:s19], $0x1000  }
0x14a: {  	[sflag:s19] =	ssyncset.done $0x0  }
0x14b: {  	[sflag:s19] =	ssyncadd.s32 $0xFFFFF000  }
0x14c: {  	_ =	swait.ge [sflag:s19], $0x1000  }
0x14d: {  	[sflag:s19] =	ssyncset.done $0x0  }
0x14e: {  	[sflag:s19] =	ssyncadd.s32 $0xFFFFF000  }
0x14f: {  	_ =	swait.ge [sflag:s19], $0x1000  }
0x150: {  	[sflag:s19] =	ssyncset.done $0x0  }
0x151: {  	[sflag:s19] =	ssyncadd.s32 $0xFFFFF000  }
0x152: {  	_ =	swait.ge [sflag:s19], $0x1000  }
0x153: {  	[sflag:s19] =	ssyncset.done $0x0  }
0x154: {  	[sflag:s19] =	ssyncadd.s32 $0xFFFFF000  }
0x155: {  	_ =	swait.ge [sflag:s19], $0x1000  }
0x156: {  	[sflag:s19] =	ssyncset.done $0x0  }
0x157: {  	[sflag:s19] =	ssyncadd.s32 $0xFFFFF000  }
0x158: {  	_ =	swait.ge [sflag:s19], $0x1000  }
0x159: {  	[sflag:s19] =	ssyncset.done $0x0  }
0x15a: {  	[sflag:s19] =	ssyncadd.s32 $0xFFFFF000  }
0x15b: {  	_ =	swait.ge [sflag:s19], $0x1000  }
0x15c: {  	[sflag:s19] =	ssyncset.done $0x0  }
0x15d: {  	[sflag:s19] =	ssyncadd.s32 $0xFFFFF000  }
0x15e: {  	_ =	swait.ge [sflag:s19], $0x1000  }
0x15f: {  	[sflag:s19] =	ssyncset.done $0x0  }
0x160: {  	[sflag:s19] =	ssyncadd.s32 $0xFFFFF000  }
0x161: {  	_ =	swait.ge [sflag:s19], $0x1000  }
0x162: {  	[sflag:s19] =	ssyncset.done $0x0  }
0x163: {  	[sflag:s19] =	ssyncadd.s32 $0xFFFFF000  }
0x164: {  	_ =	swait.ge [sflag:s19], $0x1000  }
0x165: {  	[sflag:s19] =	ssyncset.done $0x0  }
0x166: {  	s20 =	sadd.s32 $0xFFFFFFFF, s20;
	[sflag:s19] =	ssyncadd.s32 $0xFFFFF000  }
0x167: {  	p1 =	sne.s32 s20, $0x0;
	_ =	swait.ge [sflag:s19], $0x1000  }
.Ltmp1:
0x168: {  	[sflag:s19] =	ssyncset.done $0x0;
	(pc) =	sbr.rel @p1 .LBB2_2-.Ltmp1, $4  }
0x169: {  	[sflag:s19] =	ssyncadd.s32 $0xFFFFF000  }
0x16a: {  	_ =	swait.ge [sflag:s19], $0x1000  }
0x16b: {  	[sflag:s19] =	ssyncset.done $0x0  }
0x16c: {  	[sflag:s19] =	ssyncadd.s32 $0xFFFFF000  }
.LBB2_3:
0x16d: {  	_ =	swait.ge [sflag:s19], $0x1000  }
0x16e: {  	[sflag:s19] =	ssyncset.done $0x0  }
0x16f: {  	[sflag:s19] =	ssyncadd.s32 $0xFFFFF000  }
0x170: {  	_ =	sfence.sel $0x180000  }
0x171: {  	[bflag:$0x0] =	sbarrier.arrive $0xFFFF  }
0x172: {  	_ =	strace $0x90000047  }
0x173: {  	s0 =	stileid.u32;
	[bflag:$0x2] =	sbarrier.arrive $0xFFFF  }
0x174: {  	p0 =	sne.s32 s0, $0x0;
	s0 =	rddreg [dreg:$0x4]  }
0x175: {  	s0 =	sadd.s32 @!p0 $0x100000, s0  }
0x176: {  	[sflag:s0] =	ssyncadd.tile.s32 @!p0 $0x1;
	_ =	shalt  }
.Lfunc_end2:
_tile_overlayer_lowered:
.L_overlay_start_2:
0x177: {  	(tag) =	ssettag $0x2  }
0x178: {  	s0 =	rddreg [dreg:$0x0];
	s2 =	stileid.u32  }
0x179: {  	s1 =	rddreg [dreg:$0x1];
	p0 =	sne.s32 s2, $0x0  }
0x17a: {  	s3 =	rddreg [dreg:$0x2];
	[bflag:$0x3] =	sbarrier.arrive $0xFFFF;
	s2 =	simm.s32 @!p0 $0x1C13  }
0x17b: {  	[timem:s3], [sflag:s2] =	dma.local @!p0 [hbm:s0], s1  }
0x17c: {  	s0 =	simm.s32 @!p0 $0x13  }
0x17d: {  	_ =	swait.ge @!p0 [sflag:s0], s1  }
0x17e: {  	s1 =	ssub.s32 @!p0 $0x0, s1;
	[sflag:s0] =	ssyncset.done @!p0 $0x0  }
0x17f: {  	[sflag:s0] =	ssyncadd.s32 @!p0 s1  }
0x180: {  	[bflag:$0x3] =	sbarrier.arrive $0xFFFF  }
0x181: {  	_ =	shalt  }

</sc_bundles>
